<compile_context>
chip_gen: v7x
topology: tpu7x:2x2x1
jax: 0.10.2.dev20260603
libtpu: 0.0.44.dev20260713+nightly
codegen_flags: <defaults>
</compile_context>

<pallas_src>
import functools

import jax
import jax.numpy as jnp
from jax import lax
from jax.experimental import pallas as pl
from jax.experimental.pallas import tpu as pltpu
from jax.experimental.pallas import tpu_sc as plsc

NNODE = 10000
DIM = 128
COUT = 121
NEDGE = 320000

NCORE = 2
NSUB = 16
NWORK = NCORE * NSUB
NPAD = 10240
RPT = NPAD // NSUB
CH = 128
CHUNKS = 80
EPAD = NWORK * CHUNKS * CH
DEGW = 16
BR = 1024
CA = 120
CB = 40
FASTC = 0

_mesh = plsc.VectorSubcoreMesh(
    core_axis_name="c", subcore_axis_name="s", num_cores=NCORE, num_subcores=NSUB
)



@functools.partial(
    pl.kernel,
    out_type=jax.ShapeDtypeStruct((NCORE * NPAD, DIM), jnp.float32),
    mesh=_mesh,
    scratch_types=[
        pltpu.VMEM((CHUNKS, CH), jnp.int32),
        pltpu.VMEM((CH, DIM), jnp.float32),
        pltpu.VMEM_SHARED((NPAD, DIM), jnp.float32),
    ],
)
def _deg_kernel(col_hbm, ones_hbm, zeros_hbm, out_hbm, col_v, buf_v, acc_sh):
    c = lax.axis_index("c")
    s = lax.axis_index("s")
    wid = c * NSUB + s
    pltpu.sync_copy(col_hbm.at[wid], col_v)
    pltpu.sync_copy(zeros_hbm, buf_v)
    for k in range(RPT // CH):
        pltpu.sync_copy(buf_v, acc_sh.at[pl.ds(s * RPT + k * CH, CH)])
    plsc.subcore_barrier()
    pltpu.sync_copy(ones_hbm, buf_v)

    def body(j, carry):
        pltpu.sync_copy(buf_v, acc_sh.at[col_v.at[j]], add=True)
        return carry

    lax.fori_loop(0, CHUNKS, body, 0)
    plsc.subcore_barrier()
    for k in range(RPT // CH):
        pltpu.sync_copy(acc_sh.at[pl.ds(s * RPT + k * CH, CH)], buf_v)
        pltpu.sync_copy(buf_v, out_hbm.at[pl.ds(c * NPAD + s * RPT + k * CH, CH)])


@functools.partial(
    pl.kernel,
    out_type=jax.ShapeDtypeStruct((NCORE * NPAD, DIM), jnp.float32),
    mesh=_mesh,
    scratch_types=[
        pltpu.VMEM((CA, CH), jnp.int32),
        pltpu.VMEM((CA, CH), jnp.int32),
        pltpu.VMEM((CH, DIM), jnp.float32),
        pltpu.SemaphoreType.DMA,
        pltpu.VMEM_SHARED((NPAD, DIM), jnp.float32),
    ],
)
def _prop_kernel(row_hbm, col_hbm, hs_hbm, zeros_hbm, out_hbm,
                 row_v, col_v, buf_v, sem, acc_sh):
    c = lax.axis_index("c")
    s = lax.axis_index("s")
    wid = c * NSUB + s
    pltpu.sync_copy(row_hbm.at[wid], row_v)
    pltpu.sync_copy(col_hbm.at[wid], col_v)
    pltpu.sync_copy(zeros_hbm, buf_v)
    for k in range(RPT // CH):
        pltpu.sync_copy(buf_v, acc_sh.at[pl.ds(s * RPT + k * CH, CH)])
    plsc.subcore_barrier()

    def body(j, carry):
        pltpu.async_copy(hs_hbm.at[row_v.at[j]], buf_v, sem).wait()
        pltpu.sync_copy(buf_v, acc_sh.at[col_v.at[j]], add=True)
        return carry

    nch = jnp.where(c == FASTC, CA, CB)
    lax.fori_loop(0, nch, body, 0)
    plsc.subcore_barrier()
    for k in range(RPT // CH):
        pltpu.sync_copy(acc_sh.at[pl.ds(s * RPT + k * CH, CH)], buf_v)
        pltpu.sync_copy(buf_v, out_hbm.at[pl.ds(c * NPAD + s * RPT + k * CH, CH)])



def _tc1_body(x_ref, w_ref, d0_ref, d1_ref, hs_ref, dv_ref):
    deg = d0_ref[:, :1] + d1_ref[:, :1] + 1.0
    dinv = lax.rsqrt(deg)
    h = jnp.dot(x_ref[...], w_ref[...], preferred_element_type=jnp.float32)
    hs_ref[...] = h * dinv
    dv_ref[...] = jnp.broadcast_to(dinv, (BR, DEGW))


_tc1 = pl.pallas_call(
    _tc1_body,
    grid=(NPAD // BR,),
    in_specs=[
        pl.BlockSpec((BR, DIM), lambda i: (i, 0)),
        pl.BlockSpec((DIM, DIM), lambda i: (0, 0)),
        pl.BlockSpec((BR, DIM), lambda i: (i, 0)),
        pl.BlockSpec((BR, DIM), lambda i: (i, 0)),
    ],
    out_specs=[
        pl.BlockSpec((BR, DIM), lambda i: (i, 0)),
        pl.BlockSpec((BR, DEGW), lambda i: (i, 0)),
    ],
    out_shape=[
        jax.ShapeDtypeStruct((NPAD, DIM), jnp.float32),
        jax.ShapeDtypeStruct((NPAD, DEGW), jnp.float32),
    ],
)


def _tc2_body(s0_ref, s1_ref, hs_ref, dv_ref, b1_ref, w2_ref, out_ref):
    dinv = dv_ref[:, :1]
    pre = (s0_ref[...] + s1_ref[...] + hs_ref[...]) * dinv + b1_ref[...]
    h1 = jnp.maximum(pre, 0.0)
    h2 = jnp.dot(h1, w2_ref[...], preferred_element_type=jnp.float32)
    out_ref[...] = h2 * dinv


_tc2 = pl.pallas_call(
    _tc2_body,
    grid=(NPAD // BR,),
    in_specs=[
        pl.BlockSpec((BR, DIM), lambda i: (i, 0)),
        pl.BlockSpec((BR, DIM), lambda i: (i, 0)),
        pl.BlockSpec((BR, DIM), lambda i: (i, 0)),
        pl.BlockSpec((BR, DEGW), lambda i: (i, 0)),
        pl.BlockSpec((1, DIM), lambda i: (0, 0)),
        pl.BlockSpec((DIM, DIM), lambda i: (0, 0)),
    ],
    out_specs=pl.BlockSpec((BR, DIM), lambda i: (i, 0)),
    out_shape=jax.ShapeDtypeStruct((NPAD, DIM), jnp.float32),
)


def _tc3_body(s0_ref, s1_ref, h2s_ref, dv_ref, b2_ref, out_ref):
    dinv = dv_ref[:, :1]
    out_ref[...] = (s0_ref[...] + s1_ref[...] + h2s_ref[...]) * dinv + b2_ref[...]


_tc3 = pl.pallas_call(
    _tc3_body,
    grid=(NPAD // BR,),
    in_specs=[
        pl.BlockSpec((BR, DIM), lambda i: (i, 0)),
        pl.BlockSpec((BR, DIM), lambda i: (i, 0)),
        pl.BlockSpec((BR, DIM), lambda i: (i, 0)),
        pl.BlockSpec((BR, DEGW), lambda i: (i, 0)),
        pl.BlockSpec((1, DIM), lambda i: (0, 0)),
    ],
    out_specs=pl.BlockSpec((BR, DIM), lambda i: (i, 0)),
    out_shape=jax.ShapeDtypeStruct((NPAD, DIM), jnp.float32),
)



def kernel(x, edge_index, W1, b1, W2, b2):
    xpad = jnp.zeros((NPAD, DIM), jnp.float32).at[:NNODE].set(x)
    pad_e = EPAD - NEDGE
    fill = jnp.full((pad_e,), NPAD - 1, jnp.int32)
    rflat = jnp.concatenate([edge_index[0], fill])
    cflat = jnp.concatenate([edge_index[1], fill])
    colp = cflat.reshape(NWORK, CHUNKS, CH)

    def _asym(flat):
        split = NSUB * CA * CH
        big = flat[:split].reshape(NSUB, CA, CH)
        small = flat[split:].reshape(NSUB, CB, CH)
        small = jnp.concatenate(
            [small, jnp.full((NSUB, CA - CB, CH), NPAD - 1, jnp.int32)], axis=1)
        halves = [big, small] if FASTC == 0 else [small, big]
        return jnp.concatenate(halves, axis=0)

    rowp_a = _asym(rflat)
    colp_a = _asym(cflat)

    ones128 = jnp.ones((CH, DIM), jnp.float32)
    zrows = jnp.zeros((CH, DIM), jnp.float32)

    degp = _deg_kernel(colp, ones128, zrows)
    deg0, deg1 = degp[:NPAD], degp[NPAD:]

    W2p = jnp.zeros((DIM, DIM), jnp.float32).at[:, :COUT].set(W2)
    b1r = b1.reshape(1, DIM)
    b2p = jnp.zeros((1, DIM), jnp.float32).at[0, :COUT].set(b2)

    hs, dinvc = _tc1(xpad, W1, deg0, deg1)
    s1 = _prop_kernel(rowp_a, colp_a, hs, zrows)
    h2s = _tc2(s1[:NPAD], s1[NPAD:], hs, dinvc, b1r, W2p)
    s2 = _prop_kernel(rowp_a, colp_a, h2s, zrows)
    outf = _tc3(s2[:NPAD], s2[NPAD:], h2s, dinvc, b2p)
    return outf[:NNODE, :COUT]

# --- scband reference (transcript-rebuilt; emitter-appended) ---
"""Pipeline reference for scband-mlgood-46849503265027 (READ-ONLY COPY).

The authoritative reference and input builder live on the scoring server;
editing this copy changes nothing except your own understanding.
"""

import jax, jax.numpy as jnp
import numpy as np

N = 10000
E = 320000
D_IN = 128
HID = 128
C_OUT = 121


def setup_inputs(seed: int = 0) -> dict:
    key = jax.random.key(seed)
    ks = jax.random.split(key, 6)
    x = jax.random.normal(ks[0], (N, D_IN), dtype=jnp.float32)
    edge_index = jax.random.randint(ks[1], (2, E), 0, N, dtype=jnp.int32)
    s1 = float(np.sqrt(6.0 / (D_IN + HID)))
    W1 = jax.random.uniform(ks[2], (D_IN, HID), minval=-s1, maxval=s1, dtype=jnp.float32)
    b1 = jnp.zeros((HID,), dtype=jnp.float32)
    s2 = float(np.sqrt(6.0 / (HID + C_OUT)))
    W2 = jax.random.uniform(ks[3], (HID, C_OUT), minval=-s2, maxval=s2, dtype=jnp.float32)
    b2 = jnp.zeros((C_OUT,), dtype=jnp.float32)
    return {"x": x, "edge_index": edge_index, "W1": W1, "b1": b1, "W2": W2, "b2": b2}


def _gcn_norm(edge_index, n):
    # GCN symmetric normalization with self-loops (as in PyG GCNConv defaults)
    loops = jnp.arange(n, dtype=edge_index.dtype)
    row = jnp.concatenate([edge_index[0], loops])
    col = jnp.concatenate([edge_index[1], loops])
    deg = jnp.zeros((n,), jnp.float32).at[col].add(1.0)
    dinv = jnp.where(deg > 0, 1.0 / jnp.sqrt(deg), 0.0)
    norm = dinv[row] * dinv[col]
    return row, col, norm


def reference(x, edge_index, W1, b1, W2, b2):
    # MLGOOD.forward -> GCN encoder(x, edge_index): 2-layer GCN, returns logits
    # (dropout is identity at inference, use_bn=False)
    n = x.shape[0]
    row, col, norm = _gcn_norm(edge_index, n)

    h = x @ W1
    msg = h[row] * norm[:, None]
    h = jnp.zeros((n, h.shape[1]), h.dtype).at[col].add(msg) + b1
    h = jax.nn.relu(h)

    h2 = h @ W2
    msg2 = h2[row] * norm[:, None]
    out = jnp.zeros((n, h2.shape[1]), h2.dtype).at[col].add(msg2) + b2
    return out

if __name__ == "__main__":
    import jax
    _d = setup_inputs()
    print(jax.jit(kernel)(*tuple(_d.values())))

</pallas_src>

<mosaic_0001>
#map = affine_map<(d0, d1) -> (0, 0, 0)>
#map1 = affine_map<(d0, d1) -> (0, 0)>
module attributes {stable_mosaic.version = 14 : i64} {
  func.func @_deg_kernel(%arg0: i32, %arg1: i32, %arg2: memref<32x80x128xi32, #tpu.memory_space<hbm>>, %arg3: memref<128x128xf32, #tpu.memory_space<hbm>>, %arg4: memref<128x128xf32, #tpu.memory_space<hbm>>, %arg5: memref<20480x128xf32, #tpu.memory_space<hbm>>, %arg6: memref<80x128xi32, #tpu.memory_space<vmem>>, %arg7: memref<128x128xf32, #tpu.memory_space<vmem>>, %arg8: memref<10240x128xf32, #tpu.memory_space<vmem_shared>>) attributes {dimension_semantics = [#tpu.dimension_semantics<core_parallel>, #tpu.dimension_semantics<subcore_parallel>], iteration_bounds = array<i64: 2, 16>, scalar_prefetch = 0 : i64, scratch_operands = 3 : i64, tpu.core_type = #tpu.core_type<sc_vector_subcore>, window_params = [{transform_indices = #map}, {transform_indices = #map1}, {transform_indices = #map1}, {transform_indices = #map1}]} {
    %mul3A = arith.constant 16 : i32
    %mul3A_0 = arith.muli %arg0, %mul3A : i32
    %add3A = arith.addi %mul3A_0, %arg1 : i32
    "tpu.region"() ({
      %run_scoped3A = tpu.sem_alloc : memref<!tpu.dma_semaphore, #tpu.memory_space<semaphore_mem>>
      %dma_start3A = arith.constant 0 : i32
      %dma_start3A_82 = arith.constant 0 : i32
      %dma_start3A_83 = tpu.memref_slice %arg2[%add3A, %dma_start3A, %dma_start3A_82] : memref<32x80x128xi32, #tpu.memory_space<hbm>> -> memref<1x80x128xi32, #tpu.memory_space<hbm>>
      %dma_start3A_84 = tpu.memref_squeeze %dma_start3A_83 : memref<1x80x128xi32, #tpu.memory_space<hbm>> -> memref<80x128xi32, #tpu.memory_space<hbm>>
      %dma_start3A_85 = arith.constant 0 : i32
      %dma_start3A_86 = arith.constant 0 : i32
      %dma_start3A_87 = tpu.memref_slice %arg2[%add3A, %dma_start3A_85, %dma_start3A_86] : memref<32x80x128xi32, #tpu.memory_space<hbm>> -> memref<1x80x128xi32, #tpu.memory_space<hbm>>
      %dma_start3A_88 = tpu.memref_squeeze %dma_start3A_87 : memref<1x80x128xi32, #tpu.memory_space<hbm>> -> memref<80x128xi32, #tpu.memory_space<hbm>>
      tpu.enqueue_dma source(%dma_start3A_88 : memref<80x128xi32, #tpu.memory_space<hbm>>) target(%arg6 : memref<80x128xi32, #tpu.memory_space<vmem>>) target_semaphore(%run_scoped3A : memref<!tpu.dma_semaphore, #tpu.memory_space<semaphore_mem>>)
      %dma_wait3A = arith.constant 0 : i32
      %dma_wait3A_89 = arith.constant 0 : i32
      %dma_wait3A_90 = tpu.memref_slice %arg2[%add3A, %dma_wait3A, %dma_wait3A_89] : memref<32x80x128xi32, #tpu.memory_space<hbm>> -> memref<1x80x128xi32, #tpu.memory_space<hbm>>
      %dma_wait3A_91 = tpu.memref_squeeze %dma_wait3A_90 : memref<1x80x128xi32, #tpu.memory_space<hbm>> -> memref<80x128xi32, #tpu.memory_space<hbm>>
      %dma_wait3A_92 = arith.constant 0 : i32
      %dma_wait3A_93 = arith.constant 0 : i32
      %dma_wait3A_94 = tpu.memref_slice %arg2[%add3A, %dma_wait3A_92, %dma_wait3A_93] : memref<32x80x128xi32, #tpu.memory_space<hbm>> -> memref<1x80x128xi32, #tpu.memory_space<hbm>>
      %dma_wait3A_95 = tpu.memref_squeeze %dma_wait3A_94 : memref<1x80x128xi32, #tpu.memory_space<hbm>> -> memref<80x128xi32, #tpu.memory_space<hbm>>
      tpu.wait_dma2 semaphore(%run_scoped3A : memref<!tpu.dma_semaphore, #tpu.memory_space<semaphore_mem>>) src(%dma_wait3A_95 : memref<80x128xi32, #tpu.memory_space<hbm>>) dst(%arg6 : memref<80x128xi32, #tpu.memory_space<vmem>>)
      tpu.yield
    }) : () -> ()
    "tpu.region"() ({
      %run_scoped3A = tpu.sem_alloc : memref<!tpu.dma_semaphore, #tpu.memory_space<semaphore_mem>>
      tpu.enqueue_dma source(%arg4 : memref<128x128xf32, #tpu.memory_space<hbm>>) target(%arg7 : memref<128x128xf32, #tpu.memory_space<vmem>>) target_semaphore(%run_scoped3A : memref<!tpu.dma_semaphore, #tpu.memory_space<semaphore_mem>>)
      tpu.wait_dma2 semaphore(%run_scoped3A : memref<!tpu.dma_semaphore, #tpu.memory_space<semaphore_mem>>) src(%arg4 : memref<128x128xf32, #tpu.memory_space<hbm>>) dst(%arg7 : memref<128x128xf32, #tpu.memory_space<vmem>>)
      tpu.yield
    }) : () -> ()
    %mul3A_1 = arith.constant 640 : i32
    %mul3A_2 = arith.muli %arg1, %mul3A_1 : i32
    %add3A_3 = arith.constant 0 : i32
    %add3A_4 = arith.addi %mul3A_2, %add3A_3 : i32
    "tpu.region"() ({
      %run_scoped3A = tpu.sem_alloc : memref<!tpu.dma_semaphore, #tpu.memory_space<semaphore_mem>>
      %dma_start3A = arith.constant 0 : i32
      %dma_start3A_82 = tpu.memref_slice %arg8[%add3A_4, %dma_start3A] : memref<10240x128xf32, #tpu.memory_space<vmem_shared>> -> memref<128x128xf32, #tpu.memory_space<vmem_shared>>
      %dma_start3A_83 = arith.constant 0 : i32
      %dma_start3A_84 = tpu.memref_slice %arg8[%add3A_4, %dma_start3A_83] : memref<10240x128xf32, #tpu.memory_space<vmem_shared>> -> memref<128x128xf32, #tpu.memory_space<vmem_shared>>
      tpu.enqueue_dma source(%arg7 : memref<128x128xf32, #tpu.memory_space<vmem>>) target(%dma_start3A_84 : memref<128x128xf32, #tpu.memory_space<vmem_shared>>) target_semaphore(%run_scoped3A : memref<!tpu.dma_semaphore, #tpu.memory_space<semaphore_mem>>)
      %dma_wait3A = arith.constant 0 : i32
      %dma_wait3A_85 = tpu.memref_slice %arg8[%add3A_4, %dma_wait3A] : memref<10240x128xf32, #tpu.memory_space<vmem_shared>> -> memref<128x128xf32, #tpu.memory_space<vmem_shared>>
      %dma_wait3A_86 = arith.constant 0 : i32
      %dma_wait3A_87 = tpu.memref_slice %arg8[%add3A_4, %dma_wait3A_86] : memref<10240x128xf32, #tpu.memory_space<vmem_shared>> -> memref<128x128xf32, #tpu.memory_space<vmem_shared>>
      tpu.wait_dma2 semaphore(%run_scoped3A : memref<!tpu.dma_semaphore, #tpu.memory_space<semaphore_mem>>) src(%arg7 : memref<128x128xf32, #tpu.memory_space<vmem>>) dst(%dma_wait3A_87 : memref<128x128xf32, #tpu.memory_space<vmem_shared>>)
      tpu.yield
    }) : () -> ()
    %mul3A_5 = arith.constant 640 : i32
    %mul3A_6 = arith.muli %arg1, %mul3A_5 : i32
    %add3A_7 = arith.constant 128 : i32
    %add3A_8 = arith.addi %mul3A_6, %add3A_7 : i32
    "tpu.region"() ({
      %run_scoped3A = tpu.sem_alloc : memref<!tpu.dma_semaphore, #tpu.memory_space<semaphore_mem>>
      %dma_start3A = arith.constant 0 : i32
      %dma_start3A_82 = tpu.memref_slice %arg8[%add3A_8, %dma_start3A] : memref<10240x128xf32, #tpu.memory_space<vmem_shared>> -> memref<128x128xf32, #tpu.memory_space<vmem_shared>>
      %dma_start3A_83 = arith.constant 0 : i32
      %dma_start3A_84 = tpu.memref_slice %arg8[%add3A_8, %dma_start3A_83] : memref<10240x128xf32, #tpu.memory_space<vmem_shared>> -> memref<128x128xf32, #tpu.memory_space<vmem_shared>>
      tpu.enqueue_dma source(%arg7 : memref<128x128xf32, #tpu.memory_space<vmem>>) target(%dma_start3A_84 : memref<128x128xf32, #tpu.memory_space<vmem_shared>>) target_semaphore(%run_scoped3A : memref<!tpu.dma_semaphore, #tpu.memory_space<semaphore_mem>>)
      %dma_wait3A = arith.constant 0 : i32
      %dma_wait3A_85 = tpu.memref_slice %arg8[%add3A_8, %dma_wait3A] : memref<10240x128xf32, #tpu.memory_space<vmem_shared>> -> memref<128x128xf32, #tpu.memory_space<vmem_shared>>
      %dma_wait3A_86 = arith.constant 0 : i32
      %dma_wait3A_87 = tpu.memref_slice %arg8[%add3A_8, %dma_wait3A_86] : memref<10240x128xf32, #tpu.memory_space<vmem_shared>> -> memref<128x128xf32, #tpu.memory_space<vmem_shared>>
      tpu.wait_dma2 semaphore(%run_scoped3A : memref<!tpu.dma_semaphore, #tpu.memory_space<semaphore_mem>>) src(%arg7 : memref<128x128xf32, #tpu.memory_space<vmem>>) dst(%dma_wait3A_87 : memref<128x128xf32, #tpu.memory_space<vmem_shared>>)
      tpu.yield
    }) : () -> ()
    %mul3A_9 = arith.constant 640 : i32
    %mul3A_10 = arith.muli %arg1, %mul3A_9 : i32
    %add3A_11 = arith.constant 256 : i32
    %add3A_12 = arith.addi %mul3A_10, %add3A_11 : i32
    "tpu.region"() ({
      %run_scoped3A = tpu.sem_alloc : memref<!tpu.dma_semaphore, #tpu.memory_space<semaphore_mem>>
      %dma_start3A = arith.constant 0 : i32
      %dma_start3A_82 = tpu.memref_slice %arg8[%add3A_12, %dma_start3A] : memref<10240x128xf32, #tpu.memory_space<vmem_shared>> -> memref<128x128xf32, #tpu.memory_space<vmem_shared>>
      %dma_start3A_83 = arith.constant 0 : i32
      %dma_start3A_84 = tpu.memref_slice %arg8[%add3A_12, %dma_start3A_83] : memref<10240x128xf32, #tpu.memory_space<vmem_shared>> -> memref<128x128xf32, #tpu.memory_space<vmem_shared>>
      tpu.enqueue_dma source(%arg7 : memref<128x128xf32, #tpu.memory_space<vmem>>) target(%dma_start3A_84 : memref<128x128xf32, #tpu.memory_space<vmem_shared>>) target_semaphore(%run_scoped3A : memref<!tpu.dma_semaphore, #tpu.memory_space<semaphore_mem>>)
      %dma_wait3A = arith.constant 0 : i32
      %dma_wait3A_85 = tpu.memref_slice %arg8[%add3A_12, %dma_wait3A] : memref<10240x128xf32, #tpu.memory_space<vmem_shared>> -> memref<128x128xf32, #tpu.memory_space<vmem_shared>>
      %dma_wait3A_86 = arith.constant 0 : i32
      %dma_wait3A_87 = tpu.memref_slice %arg8[%add3A_12, %dma_wait3A_86] : memref<10240x128xf32, #tpu.memory_space<vmem_shared>> -> memref<128x128xf32, #tpu.memory_space<vmem_shared>>
      tpu.wait_dma2 semaphore(%run_scoped3A : memref<!tpu.dma_semaphore, #tpu.memory_space<semaphore_mem>>) src(%arg7 : memref<128x128xf32, #tpu.memory_space<vmem>>) dst(%dma_wait3A_87 : memref<128x128xf32, #tpu.memory_space<vmem_shared>>)
      tpu.yield
    }) : () -> ()
    %mul3A_13 = arith.constant 640 : i32
    %mul3A_14 = arith.muli %arg1, %mul3A_13 : i32
    %add3A_15 = arith.constant 384 : i32
    %add3A_16 = arith.addi %mul3A_14, %add3A_15 : i32
    "tpu.region"() ({
      %run_scoped3A = tpu.sem_alloc : memref<!tpu.dma_semaphore, #tpu.memory_space<semaphore_mem>>
      %dma_start3A = arith.constant 0 : i32
      %dma_start3A_82 = tpu.memref_slice %arg8[%add3A_16, %dma_start3A] : memref<10240x128xf32, #tpu.memory_space<vmem_shared>> -> memref<128x128xf32, #tpu.memory_space<vmem_shared>>
      %dma_start3A_83 = arith.constant 0 : i32
      %dma_start3A_84 = tpu.memref_slice %arg8[%add3A_16, %dma_start3A_83] : memref<10240x128xf32, #tpu.memory_space<vmem_shared>> -> memref<128x128xf32, #tpu.memory_space<vmem_shared>>
      tpu.enqueue_dma source(%arg7 : memref<128x128xf32, #tpu.memory_space<vmem>>) target(%dma_start3A_84 : memref<128x128xf32, #tpu.memory_space<vmem_shared>>) target_semaphore(%run_scoped3A : memref<!tpu.dma_semaphore, #tpu.memory_space<semaphore_mem>>)
      %dma_wait3A = arith.constant 0 : i32
      %dma_wait3A_85 = tpu.memref_slice %arg8[%add3A_16, %dma_wait3A] : memref<10240x128xf32, #tpu.memory_space<vmem_shared>> -> memref<128x128xf32, #tpu.memory_space<vmem_shared>>
      %dma_wait3A_86 = arith.constant 0 : i32
      %dma_wait3A_87 = tpu.memref_slice %arg8[%add3A_16, %dma_wait3A_86] : memref<10240x128xf32, #tpu.memory_space<vmem_shared>> -> memref<128x128xf32, #tpu.memory_space<vmem_shared>>
      tpu.wait_dma2 semaphore(%run_scoped3A : memref<!tpu.dma_semaphore, #tpu.memory_space<semaphore_mem>>) src(%arg7 : memref<128x128xf32, #tpu.memory_space<vmem>>) dst(%dma_wait3A_87 : memref<128x128xf32, #tpu.memory_space<vmem_shared>>)
      tpu.yield
    }) : () -> ()
    %mul3A_17 = arith.constant 640 : i32
    %mul3A_18 = arith.muli %arg1, %mul3A_17 : i32
    %add3A_19 = arith.constant 512 : i32
    %add3A_20 = arith.addi %mul3A_18, %add3A_19 : i32
    "tpu.region"() ({
      %run_scoped3A = tpu.sem_alloc : memref<!tpu.dma_semaphore, #tpu.memory_space<semaphore_mem>>
      %dma_start3A = arith.constant 0 : i32
      %dma_start3A_82 = tpu.memref_slice %arg8[%add3A_20, %dma_start3A] : memref<10240x128xf32, #tpu.memory_space<vmem_shared>> -> memref<128x128xf32, #tpu.memory_space<vmem_shared>>
      %dma_start3A_83 = arith.constant 0 : i32
      %dma_start3A_84 = tpu.memref_slice %arg8[%add3A_20, %dma_start3A_83] : memref<10240x128xf32, #tpu.memory_space<vmem_shared>> -> memref<128x128xf32, #tpu.memory_space<vmem_shared>>
      tpu.enqueue_dma source(%arg7 : memref<128x128xf32, #tpu.memory_space<vmem>>) target(%dma_start3A_84 : memref<128x128xf32, #tpu.memory_space<vmem_shared>>) target_semaphore(%run_scoped3A : memref<!tpu.dma_semaphore, #tpu.memory_space<semaphore_mem>>)
      %dma_wait3A = arith.constant 0 : i32
      %dma_wait3A_85 = tpu.memref_slice %arg8[%add3A_20, %dma_wait3A] : memref<10240x128xf32, #tpu.memory_space<vmem_shared>> -> memref<128x128xf32, #tpu.memory_space<vmem_shared>>
      %dma_wait3A_86 = arith.constant 0 : i32
      %dma_wait3A_87 = tpu.memref_slice %arg8[%add3A_20, %dma_wait3A_86] : memref<10240x128xf32, #tpu.memory_space<vmem_shared>> -> memref<128x128xf32, #tpu.memory_space<vmem_shared>>
      tpu.wait_dma2 semaphore(%run_scoped3A : memref<!tpu.dma_semaphore, #tpu.memory_space<semaphore_mem>>) src(%arg7 : memref<128x128xf32, #tpu.memory_space<vmem>>) dst(%dma_wait3A_87 : memref<128x128xf32, #tpu.memory_space<vmem_shared>>)
      tpu.yield
    }) : () -> ()
    %barrier3A = arith.constant 0 : index
    tpu.barrier barrier_id(%barrier3A)
    "tpu.region"() ({
      %run_scoped3A = tpu.sem_alloc : memref<!tpu.dma_semaphore, #tpu.memory_space<semaphore_mem>>
      tpu.enqueue_dma source(%arg3 : memref<128x128xf32, #tpu.memory_space<hbm>>) target(%arg7 : memref<128x128xf32, #tpu.memory_space<vmem>>) target_semaphore(%run_scoped3A : memref<!tpu.dma_semaphore, #tpu.memory_space<semaphore_mem>>)
      tpu.wait_dma2 semaphore(%run_scoped3A : memref<!tpu.dma_semaphore, #tpu.memory_space<semaphore_mem>>) src(%arg3 : memref<128x128xf32, #tpu.memory_space<hbm>>) dst(%arg7 : memref<128x128xf32, #tpu.memory_space<vmem>>)
      tpu.yield
    }) : () -> ()
    %scan3A = arith.constant 0 : i32
    %scan3A_21 = arith.constant 0 : i32
    %scan3A_22 = arith.constant 80 : i32
    %scan3A_23 = arith.addi %scan3A_21, %scan3A_22 : i32
    %scan3A_24 = arith.constant 1 : i32
    scf.for %scan3A_82 = %scan3A_21 to %scan3A_23 step %scan3A_24  : i32 {
      "tpu.region"() ({
        %run_scoped3A = tpu.sem_alloc : memref<!tpu.dma_semaphore, #tpu.memory_space<semaphore_mem>>
        %dma_start3A = arith.constant 0 : i32
        %dma_start3A_83 = tpu.memref_slice %arg6[%scan3A_82, %dma_start3A] : memref<80x128xi32, #tpu.memory_space<vmem>> -> memref<1x128xi32, #tpu.memory_space<vmem>>
        %dma_start3A_84 = tpu.memref_squeeze %dma_start3A_83 : memref<1x128xi32, #tpu.memory_space<vmem>> -> memref<128xi32, #tpu.memory_space<vmem>>
        %dma_start3A_85 = arith.constant 0 : i32
        %dma_start3A_86 = arith.constant 0 : i32
        %dma_start3A_87 = tpu.memref_slice %arg8[%dma_start3A_85, %dma_start3A_86] : memref<10240x128xf32, #tpu.memory_space<vmem_shared>> -> memref<10240x128xf32, #tpu.memory_space<vmem_shared>>
        tpu.enqueue_indirect_dma source(%arg7 : memref<128x128xf32, #tpu.memory_space<vmem>>) target(%dma_start3A_87 : memref<10240x128xf32, #tpu.memory_space<vmem_shared>>) offsets(%dma_start3A_84 : memref<128xi32, #tpu.memory_space<vmem>>) semaphore(%run_scoped3A : memref<!tpu.dma_semaphore, #tpu.memory_space<semaphore_mem>>) {add = true}
        %dma_wait3A = arith.constant 0 : i32
        %dma_wait3A_88 = tpu.memref_slice %arg6[%scan3A_82, %dma_wait3A] : memref<80x128xi32, #tpu.memory_space<vmem>> -> memref<1x128xi32, #tpu.memory_space<vmem>>
        %dma_wait3A_89 = tpu.memref_squeeze %dma_wait3A_88 : memref<1x128xi32, #tpu.memory_space<vmem>> -> memref<128xi32, #tpu.memory_space<vmem>>
        %dma_wait3A_90 = arith.constant 0 : i32
        %dma_wait3A_91 = arith.constant 0 : i32
        %dma_wait3A_92 = tpu.memref_slice %arg8[%dma_wait3A_90, %dma_wait3A_91] : memref<10240x128xf32, #tpu.memory_space<vmem_shared>> -> memref<10240x128xf32, #tpu.memory_space<vmem_shared>>
        tpu.wait_indirect_dma semaphore(%run_scoped3A : memref<!tpu.dma_semaphore, #tpu.memory_space<semaphore_mem>>) src(%arg7 : memref<128x128xf32, #tpu.memory_space<vmem>>) dst(%dma_wait3A_92 : memref<10240x128xf32, #tpu.memory_space<vmem_shared>>)
        tpu.yield
      }) : () -> ()
    }
    %scan3A_25 = arith.constant 80 : i32
    %barrier3A_26 = arith.constant 0 : index
    tpu.barrier barrier_id(%barrier3A_26)
    %mul3A_27 = arith.constant 640 : i32
    %mul3A_28 = arith.muli %arg1, %mul3A_27 : i32
    %add3A_29 = arith.constant 0 : i32
    %add3A_30 = arith.addi %mul3A_28, %add3A_29 : i32
    "tpu.region"() ({
      %run_scoped3A = tpu.sem_alloc : memref<!tpu.dma_semaphore, #tpu.memory_space<semaphore_mem>>
      %dma_start3A = arith.constant 0 : i32
      %dma_start3A_82 = tpu.memref_slice %arg8[%add3A_30, %dma_start3A] : memref<10240x128xf32, #tpu.memory_space<vmem_shared>> -> memref<128x128xf32, #tpu.memory_space<vmem_shared>>
      %dma_start3A_83 = arith.constant 0 : i32
      %dma_start3A_84 = tpu.memref_slice %arg8[%add3A_30, %dma_start3A_83] : memref<10240x128xf32, #tpu.memory_space<vmem_shared>> -> memref<128x128xf32, #tpu.memory_space<vmem_shared>>
      tpu.enqueue_dma source(%dma_start3A_84 : memref<128x128xf32, #tpu.memory_space<vmem_shared>>) target(%arg7 : memref<128x128xf32, #tpu.memory_space<vmem>>) target_semaphore(%run_scoped3A : memref<!tpu.dma_semaphore, #tpu.memory_space<semaphore_mem>>)
      %dma_wait3A = arith.constant 0 : i32
      %dma_wait3A_85 = tpu.memref_slice %arg8[%add3A_30, %dma_wait3A] : memref<10240x128xf32, #tpu.memory_space<vmem_shared>> -> memref<128x128xf32, #tpu.memory_space<vmem_shared>>
      %dma_wait3A_86 = arith.constant 0 : i32
      %dma_wait3A_87 = tpu.memref_slice %arg8[%add3A_30, %dma_wait3A_86] : memref<10240x128xf32, #tpu.memory_space<vmem_shared>> -> memref<128x128xf32, #tpu.memory_space<vmem_shared>>
      tpu.wait_dma2 semaphore(%run_scoped3A : memref<!tpu.dma_semaphore, #tpu.memory_space<semaphore_mem>>) src(%dma_wait3A_87 : memref<128x128xf32, #tpu.memory_space<vmem_shared>>) dst(%arg7 : memref<128x128xf32, #tpu.memory_space<vmem>>)
      tpu.yield
    }) : () -> ()
    %mul3A_31 = arith.constant 10240 : i32
    %mul3A_32 = arith.muli %arg0, %mul3A_31 : i32
    %mul3A_33 = arith.constant 640 : i32
    %mul3A_34 = arith.muli %arg1, %mul3A_33 : i32
    %add3A_35 = arith.addi %mul3A_32, %mul3A_34 : i32
    %add3A_36 = arith.constant 0 : i32
    %add3A_37 = arith.addi %add3A_35, %add3A_36 : i32
    "tpu.region"() ({
      %run_scoped3A = tpu.sem_alloc : memref<!tpu.dma_semaphore, #tpu.memory_space<semaphore_mem>>
      %dma_start3A = arith.constant 0 : i32
      %dma_start3A_82 = tpu.memref_slice %arg5[%add3A_37, %dma_start3A] : memref<20480x128xf32, #tpu.memory_space<hbm>> -> memref<128x128xf32, #tpu.memory_space<hbm>>
      %dma_start3A_83 = arith.constant 0 : i32
      %dma_start3A_84 = tpu.memref_slice %arg5[%add3A_37, %dma_start3A_83] : memref<20480x128xf32, #tpu.memory_space<hbm>> -> memref<128x128xf32, #tpu.memory_space<hbm>>
      tpu.enqueue_dma source(%arg7 : memref<128x128xf32, #tpu.memory_space<vmem>>) target(%dma_start3A_84 : memref<128x128xf32, #tpu.memory_space<hbm>>) target_semaphore(%run_scoped3A : memref<!tpu.dma_semaphore, #tpu.memory_space<semaphore_mem>>)
      %dma_wait3A = arith.constant 0 : i32
      %dma_wait3A_85 = tpu.memref_slice %arg5[%add3A_37, %dma_wait3A] : memref<20480x128xf32, #tpu.memory_space<hbm>> -> memref<128x128xf32, #tpu.memory_space<hbm>>
      %dma_wait3A_86 = arith.constant 0 : i32
      %dma_wait3A_87 = tpu.memref_slice %arg5[%add3A_37, %dma_wait3A_86] : memref<20480x128xf32, #tpu.memory_space<hbm>> -> memref<128x128xf32, #tpu.memory_space<hbm>>
      tpu.wait_dma2 semaphore(%run_scoped3A : memref<!tpu.dma_semaphore, #tpu.memory_space<semaphore_mem>>) src(%arg7 : memref<128x128xf32, #tpu.memory_space<vmem>>) dst(%dma_wait3A_87 : memref<128x128xf32, #tpu.memory_space<hbm>>)
      tpu.yield
    }) : () -> ()
    %mul3A_38 = arith.constant 640 : i32
    %mul3A_39 = arith.muli %arg1, %mul3A_38 : i32
    %add3A_40 = arith.constant 128 : i32
    %add3A_41 = arith.addi %mul3A_39, %add3A_40 : i32
    "tpu.region"() ({
      %run_scoped3A = tpu.sem_alloc : memref<!tpu.dma_semaphore, #tpu.memory_space<semaphore_mem>>
      %dma_start3A = arith.constant 0 : i32
      %dma_start3A_82 = tpu.memref_slice %arg8[%add3A_41, %dma_start3A] : memref<10240x128xf32, #tpu.memory_space<vmem_shared>> -> memref<128x128xf32, #tpu.memory_space<vmem_shared>>
      %dma_start3A_83 = arith.constant 0 : i32
      %dma_start3A_84 = tpu.memref_slice %arg8[%add3A_41, %dma_start3A_83] : memref<10240x128xf32, #tpu.memory_space<vmem_shared>> -> memref<128x128xf32, #tpu.memory_space<vmem_shared>>
      tpu.enqueue_dma source(%dma_start3A_84 : memref<128x128xf32, #tpu.memory_space<vmem_shared>>) target(%arg7 : memref<128x128xf32, #tpu.memory_space<vmem>>) target_semaphore(%run_scoped3A : memref<!tpu.dma_semaphore, #tpu.memory_space<semaphore_mem>>)
      %dma_wait3A = arith.constant 0 : i32
      %dma_wait3A_85 = tpu.memref_slice %arg8[%add3A_41, %dma_wait3A] : memref<10240x128xf32, #tpu.memory_space<vmem_shared>> -> memref<128x128xf32, #tpu.memory_space<vmem_shared>>
      %dma_wait3A_86 = arith.constant 0 : i32
      %dma_wait3A_87 = tpu.memref_slice %arg8[%add3A_41, %dma_wait3A_86] : memref<10240x128xf32, #tpu.memory_space<vmem_shared>> -> memref<128x128xf32, #tpu.memory_space<vmem_shared>>
      tpu.wait_dma2 semaphore(%run_scoped3A : memref<!tpu.dma_semaphore, #tpu.memory_space<semaphore_mem>>) src(%dma_wait3A_87 : memref<128x128xf32, #tpu.memory_space<vmem_shared>>) dst(%arg7 : memref<128x128xf32, #tpu.memory_space<vmem>>)
      tpu.yield
    }) : () -> ()
    %mul3A_42 = arith.constant 10240 : i32
    %mul3A_43 = arith.muli %arg0, %mul3A_42 : i32
    %mul3A_44 = arith.constant 640 : i32
    %mul3A_45 = arith.muli %arg1, %mul3A_44 : i32
    %add3A_46 = arith.addi %mul3A_43, %mul3A_45 : i32
    %add3A_47 = arith.constant 128 : i32
    %add3A_48 = arith.addi %add3A_46, %add3A_47 : i32
    "tpu.region"() ({
      %run_scoped3A = tpu.sem_alloc : memref<!tpu.dma_semaphore, #tpu.memory_space<semaphore_mem>>
      %dma_start3A = arith.constant 0 : i32
      %dma_start3A_82 = tpu.memref_slice %arg5[%add3A_48, %dma_start3A] : memref<20480x128xf32, #tpu.memory_space<hbm>> -> memref<128x128xf32, #tpu.memory_space<hbm>>
      %dma_start3A_83 = arith.constant 0 : i32
      %dma_start3A_84 = tpu.memref_slice %arg5[%add3A_48, %dma_start3A_83] : memref<20480x128xf32, #tpu.memory_space<hbm>> -> memref<128x128xf32, #tpu.memory_space<hbm>>
      tpu.enqueue_dma source(%arg7 : memref<128x128xf32, #tpu.memory_space<vmem>>) target(%dma_start3A_84 : memref<128x128xf32, #tpu.memory_space<hbm>>) target_semaphore(%run_scoped3A : memref<!tpu.dma_semaphore, #tpu.memory_space<semaphore_mem>>)
      %dma_wait3A = arith.constant 0 : i32
      %dma_wait3A_85 = tpu.memref_slice %arg5[%add3A_48, %dma_wait3A] : memref<20480x128xf32, #tpu.memory_space<hbm>> -> memref<128x128xf32, #tpu.memory_space<hbm>>
      %dma_wait3A_86 = arith.constant 0 : i32
      %dma_wait3A_87 = tpu.memref_slice %arg5[%add3A_48, %dma_wait3A_86] : memref<20480x128xf32, #tpu.memory_space<hbm>> -> memref<128x128xf32, #tpu.memory_space<hbm>>
      tpu.wait_dma2 semaphore(%run_scoped3A : memref<!tpu.dma_semaphore, #tpu.memory_space<semaphore_mem>>) src(%arg7 : memref<128x128xf32, #tpu.memory_space<vmem>>) dst(%dma_wait3A_87 : memref<128x128xf32, #tpu.memory_space<hbm>>)
      tpu.yield
    }) : () -> ()
    %mul3A_49 = arith.constant 640 : i32
    %mul3A_50 = arith.muli %arg1, %mul3A_49 : i32
    %add3A_51 = arith.constant 256 : i32
    %add3A_52 = arith.addi %mul3A_50, %add3A_51 : i32
    "tpu.region"() ({
      %run_scoped3A = tpu.sem_alloc : memref<!tpu.dma_semaphore, #tpu.memory_space<semaphore_mem>>
      %dma_start3A = arith.constant 0 : i32
      %dma_start3A_82 = tpu.memref_slice %arg8[%add3A_52, %dma_start3A] : memref<10240x128xf32, #tpu.memory_space<vmem_shared>> -> memref<128x128xf32, #tpu.memory_space<vmem_shared>>
      %dma_start3A_83 = arith.constant 0 : i32
      %dma_start3A_84 = tpu.memref_slice %arg8[%add3A_52, %dma_start3A_83] : memref<10240x128xf32, #tpu.memory_space<vmem_shared>> -> memref<128x128xf32, #tpu.memory_space<vmem_shared>>
      tpu.enqueue_dma source(%dma_start3A_84 : memref<128x128xf32, #tpu.memory_space<vmem_shared>>) target(%arg7 : memref<128x128xf32, #tpu.memory_space<vmem>>) target_semaphore(%run_scoped3A : memref<!tpu.dma_semaphore, #tpu.memory_space<semaphore_mem>>)
      %dma_wait3A = arith.constant 0 : i32
      %dma_wait3A_85 = tpu.memref_slice %arg8[%add3A_52, %dma_wait3A] : memref<10240x128xf32, #tpu.memory_space<vmem_shared>> -> memref<128x128xf32, #tpu.memory_space<vmem_shared>>
      %dma_wait3A_86 = arith.constant 0 : i32
      %dma_wait3A_87 = tpu.memref_slice %arg8[%add3A_52, %dma_wait3A_86] : memref<10240x128xf32, #tpu.memory_space<vmem_shared>> -> memref<128x128xf32, #tpu.memory_space<vmem_shared>>
      tpu.wait_dma2 semaphore(%run_scoped3A : memref<!tpu.dma_semaphore, #tpu.memory_space<semaphore_mem>>) src(%dma_wait3A_87 : memref<128x128xf32, #tpu.memory_space<vmem_shared>>) dst(%arg7 : memref<128x128xf32, #tpu.memory_space<vmem>>)
      tpu.yield
    }) : () -> ()
    %mul3A_53 = arith.constant 10240 : i32
    %mul3A_54 = arith.muli %arg0, %mul3A_53 : i32
    %mul3A_55 = arith.constant 640 : i32
    %mul3A_56 = arith.muli %arg1, %mul3A_55 : i32
    %add3A_57 = arith.addi %mul3A_54, %mul3A_56 : i32
    %add3A_58 = arith.constant 256 : i32
    %add3A_59 = arith.addi %add3A_57, %add3A_58 : i32
    "tpu.region"() ({
      %run_scoped3A = tpu.sem_alloc : memref<!tpu.dma_semaphore, #tpu.memory_space<semaphore_mem>>
      %dma_start3A = arith.constant 0 : i32
      %dma_start3A_82 = tpu.memref_slice %arg5[%add3A_59, %dma_start3A] : memref<20480x128xf32, #tpu.memory_space<hbm>> -> memref<128x128xf32, #tpu.memory_space<hbm>>
      %dma_start3A_83 = arith.constant 0 : i32
      %dma_start3A_84 = tpu.memref_slice %arg5[%add3A_59, %dma_start3A_83] : memref<20480x128xf32, #tpu.memory_space<hbm>> -> memref<128x128xf32, #tpu.memory_space<hbm>>
      tpu.enqueue_dma source(%arg7 : memref<128x128xf32, #tpu.memory_space<vmem>>) target(%dma_start3A_84 : memref<128x128xf32, #tpu.memory_space<hbm>>) target_semaphore(%run_scoped3A : memref<!tpu.dma_semaphore, #tpu.memory_space<semaphore_mem>>)
      %dma_wait3A = arith.constant 0 : i32
      %dma_wait3A_85 = tpu.memref_slice %arg5[%add3A_59, %dma_wait3A] : memref<20480x128xf32, #tpu.memory_space<hbm>> -> memref<128x128xf32, #tpu.memory_space<hbm>>
      %dma_wait3A_86 = arith.constant 0 : i32
      %dma_wait3A_87 = tpu.memref_slice %arg5[%add3A_59, %dma_wait3A_86] : memref<20480x128xf32, #tpu.memory_space<hbm>> -> memref<128x128xf32, #tpu.memory_space<hbm>>
      tpu.wait_dma2 semaphore(%run_scoped3A : memref<!tpu.dma_semaphore, #tpu.memory_space<semaphore_mem>>) src(%arg7 : memref<128x128xf32, #tpu.memory_space<vmem>>) dst(%dma_wait3A_87 : memref<128x128xf32, #tpu.memory_space<hbm>>)
      tpu.yield
    }) : () -> ()
    %mul3A_60 = arith.constant 640 : i32
    %mul3A_61 = arith.muli %arg1, %mul3A_60 : i32
    %add3A_62 = arith.constant 384 : i32
    %add3A_63 = arith.addi %mul3A_61, %add3A_62 : i32
    "tpu.region"() ({
      %run_scoped3A = tpu.sem_alloc : memref<!tpu.dma_semaphore, #tpu.memory_space<semaphore_mem>>
      %dma_start3A = arith.constant 0 : i32
      %dma_start3A_82 = tpu.memref_slice %arg8[%add3A_63, %dma_start3A] : memref<10240x128xf32, #tpu.memory_space<vmem_shared>> -> memref<128x128xf32, #tpu.memory_space<vmem_shared>>
      %dma_start3A_83 = arith.constant 0 : i32
      %dma_start3A_84 = tpu.memref_slice %arg8[%add3A_63, %dma_start3A_83] : memref<10240x128xf32, #tpu.memory_space<vmem_shared>> -> memref<128x128xf32, #tpu.memory_space<vmem_shared>>
      tpu.enqueue_dma source(%dma_start3A_84 : memref<128x128xf32, #tpu.memory_space<vmem_shared>>) target(%arg7 : memref<128x128xf32, #tpu.memory_space<vmem>>) target_semaphore(%run_scoped3A : memref<!tpu.dma_semaphore, #tpu.memory_space<semaphore_mem>>)
      %dma_wait3A = arith.constant 0 : i32
      %dma_wait3A_85 = tpu.memref_slice %arg8[%add3A_63, %dma_wait3A] : memref<10240x128xf32, #tpu.memory_space<vmem_shared>> -> memref<128x128xf32, #tpu.memory_space<vmem_shared>>
      %dma_wait3A_86 = arith.constant 0 : i32
      %dma_wait3A_87 = tpu.memref_slice %arg8[%add3A_63, %dma_wait3A_86] : memref<10240x128xf32, #tpu.memory_space<vmem_shared>> -> memref<128x128xf32, #tpu.memory_space<vmem_shared>>
      tpu.wait_dma2 semaphore(%run_scoped3A : memref<!tpu.dma_semaphore, #tpu.memory_space<semaphore_mem>>) src(%dma_wait3A_87 : memref<128x128xf32, #tpu.memory_space<vmem_shared>>) dst(%arg7 : memref<128x128xf32, #tpu.memory_space<vmem>>)
      tpu.yield
    }) : () -> ()
    %mul3A_64 = arith.constant 10240 : i32
    %mul3A_65 = arith.muli %arg0, %mul3A_64 : i32
    %mul3A_66 = arith.constant 640 : i32
    %mul3A_67 = arith.muli %arg1, %mul3A_66 : i32
    %add3A_68 = arith.addi %mul3A_65, %mul3A_67 : i32
    %add3A_69 = arith.constant 384 : i32
    %add3A_70 = arith.addi %add3A_68, %add3A_69 : i32
    "tpu.region"() ({
      %run_scoped3A = tpu.sem_alloc : memref<!tpu.dma_semaphore, #tpu.memory_space<semaphore_mem>>
      %dma_start3A = arith.constant 0 : i32
      %dma_start3A_82 = tpu.memref_slice %arg5[%add3A_70, %dma_start3A] : memref<20480x128xf32, #tpu.memory_space<hbm>> -> memref<128x128xf32, #tpu.memory_space<hbm>>
      %dma_start3A_83 = arith.constant 0 : i32
      %dma_start3A_84 = tpu.memref_slice %arg5[%add3A_70, %dma_start3A_83] : memref<20480x128xf32, #tpu.memory_space<hbm>> -> memref<128x128xf32, #tpu.memory_space<hbm>>
      tpu.enqueue_dma source(%arg7 : memref<128x128xf32, #tpu.memory_space<vmem>>) target(%dma_start3A_84 : memref<128x128xf32, #tpu.memory_space<hbm>>) target_semaphore(%run_scoped3A : memref<!tpu.dma_semaphore, #tpu.memory_space<semaphore_mem>>)
      %dma_wait3A = arith.constant 0 : i32
      %dma_wait3A_85 = tpu.memref_slice %arg5[%add3A_70, %dma_wait3A] : memref<20480x128xf32, #tpu.memory_space<hbm>> -> memref<128x128xf32, #tpu.memory_space<hbm>>
      %dma_wait3A_86 = arith.constant 0 : i32
      %dma_wait3A_87 = tpu.memref_slice %arg5[%add3A_70, %dma_wait3A_86] : memref<20480x128xf32, #tpu.memory_space<hbm>> -> memref<128x128xf32, #tpu.memory_space<hbm>>
      tpu.wait_dma2 semaphore(%run_scoped3A : memref<!tpu.dma_semaphore, #tpu.memory_space<semaphore_mem>>) src(%arg7 : memref<128x128xf32, #tpu.memory_space<vmem>>) dst(%dma_wait3A_87 : memref<128x128xf32, #tpu.memory_space<hbm>>)
      tpu.yield
    }) : () -> ()
    %mul3A_71 = arith.constant 640 : i32
    %mul3A_72 = arith.muli %arg1, %mul3A_71 : i32
    %add3A_73 = arith.constant 512 : i32
    %add3A_74 = arith.addi %mul3A_72, %add3A_73 : i32
    "tpu.region"() ({
      %run_scoped3A = tpu.sem_alloc : memref<!tpu.dma_semaphore, #tpu.memory_space<semaphore_mem>>
      %dma_start3A = arith.constant 0 : i32
      %dma_start3A_82 = tpu.memref_slice %arg8[%add3A_74, %dma_start3A] : memref<10240x128xf32, #tpu.memory_space<vmem_shared>> -> memref<128x128xf32, #tpu.memory_space<vmem_shared>>
      %dma_start3A_83 = arith.constant 0 : i32
      %dma_start3A_84 = tpu.memref_slice %arg8[%add3A_74, %dma_start3A_83] : memref<10240x128xf32, #tpu.memory_space<vmem_shared>> -> memref<128x128xf32, #tpu.memory_space<vmem_shared>>
      tpu.enqueue_dma source(%dma_start3A_84 : memref<128x128xf32, #tpu.memory_space<vmem_shared>>) target(%arg7 : memref<128x128xf32, #tpu.memory_space<vmem>>) target_semaphore(%run_scoped3A : memref<!tpu.dma_semaphore, #tpu.memory_space<semaphore_mem>>)
      %dma_wait3A = arith.constant 0 : i32
      %dma_wait3A_85 = tpu.memref_slice %arg8[%add3A_74, %dma_wait3A] : memref<10240x128xf32, #tpu.memory_space<vmem_shared>> -> memref<128x128xf32, #tpu.memory_space<vmem_shared>>
      %dma_wait3A_86 = arith.constant 0 : i32
      %dma_wait3A_87 = tpu.memref_slice %arg8[%add3A_74, %dma_wait3A_86] : memref<10240x128xf32, #tpu.memory_space<vmem_shared>> -> memref<128x128xf32, #tpu.memory_space<vmem_shared>>
      tpu.wait_dma2 semaphore(%run_scoped3A : memref<!tpu.dma_semaphore, #tpu.memory_space<semaphore_mem>>) src(%dma_wait3A_87 : memref<128x128xf32, #tpu.memory_space<vmem_shared>>) dst(%arg7 : memref<128x128xf32, #tpu.memory_space<vmem>>)
      tpu.yield
    }) : () -> ()
    %mul3A_75 = arith.constant 10240 : i32
    %mul3A_76 = arith.muli %arg0, %mul3A_75 : i32
    %mul3A_77 = arith.constant 640 : i32
    %mul3A_78 = arith.muli %arg1, %mul3A_77 : i32
    %add3A_79 = arith.addi %mul3A_76, %mul3A_78 : i32
    %add3A_80 = arith.constant 512 : i32
    %add3A_81 = arith.addi %add3A_79, %add3A_80 : i32
    "tpu.region"() ({
      %run_scoped3A = tpu.sem_alloc : memref<!tpu.dma_semaphore, #tpu.memory_space<semaphore_mem>>
      %dma_start3A = arith.constant 0 : i32
      %dma_start3A_82 = tpu.memref_slice %arg5[%add3A_81, %dma_start3A] : memref<20480x128xf32, #tpu.memory_space<hbm>> -> memref<128x128xf32, #tpu.memory_space<hbm>>
      %dma_start3A_83 = arith.constant 0 : i32
      %dma_start3A_84 = tpu.memref_slice %arg5[%add3A_81, %dma_start3A_83] : memref<20480x128xf32, #tpu.memory_space<hbm>> -> memref<128x128xf32, #tpu.memory_space<hbm>>
      tpu.enqueue_dma source(%arg7 : memref<128x128xf32, #tpu.memory_space<vmem>>) target(%dma_start3A_84 : memref<128x128xf32, #tpu.memory_space<hbm>>) target_semaphore(%run_scoped3A : memref<!tpu.dma_semaphore, #tpu.memory_space<semaphore_mem>>)
      %dma_wait3A = arith.constant 0 : i32
      %dma_wait3A_85 = tpu.memref_slice %arg5[%add3A_81, %dma_wait3A] : memref<20480x128xf32, #tpu.memory_space<hbm>> -> memref<128x128xf32, #tpu.memory_space<hbm>>
      %dma_wait3A_86 = arith.constant 0 : i32
      %dma_wait3A_87 = tpu.memref_slice %arg5[%add3A_81, %dma_wait3A_86] : memref<20480x128xf32, #tpu.memory_space<hbm>> -> memref<128x128xf32, #tpu.memory_space<hbm>>
      tpu.wait_dma2 semaphore(%run_scoped3A : memref<!tpu.dma_semaphore, #tpu.memory_space<semaphore_mem>>) src(%arg7 : memref<128x128xf32, #tpu.memory_space<vmem>>) dst(%dma_wait3A_87 : memref<128x128xf32, #tpu.memory_space<hbm>>)
      tpu.yield
    }) : () -> ()
    return
  }
}

#map = affine_map<(d0, d1) -> (0, 0, 0)>
#map1 = affine_map<(d0, d1) -> (0, 0)>
module attributes {stable_mosaic.version = 14 : i64} {
  func.func @_prop_kernel(%arg0: i32, %arg1: i32, %arg2: memref<32x120x128xi32, #tpu.memory_space<hbm>>, %arg3: memref<32x120x128xi32, #tpu.memory_space<hbm>>, %arg4: memref<10240x128xf32, #tpu.memory_space<hbm>>, %arg5: memref<128x128xf32, #tpu.memory_space<hbm>>, %arg6: memref<20480x128xf32, #tpu.memory_space<hbm>>, %arg7: memref<120x128xi32, #tpu.memory_space<vmem>>, %arg8: memref<120x128xi32, #tpu.memory_space<vmem>>, %arg9: memref<128x128xf32, #tpu.memory_space<vmem>>, %arg10: memref<!tpu.dma_semaphore, #tpu.memory_space<semaphore_mem>>, %arg11: memref<10240x128xf32, #tpu.memory_space<vmem_shared>>) attributes {dimension_semantics = [#tpu.dimension_semantics<core_parallel>, #tpu.dimension_semantics<subcore_parallel>], iteration_bounds = array<i64: 2, 16>, scalar_prefetch = 0 : i64, scratch_operands = 5 : i64, tpu.core_type = #tpu.core_type<sc_vector_subcore>, window_params = [{transform_indices = #map}, {transform_indices = #map}, {transform_indices = #map1}, {transform_indices = #map1}, {transform_indices = #map1}]} {
    %mul3A = arith.constant 16 : i32
    %mul3A_0 = arith.muli %arg0, %mul3A : i32
    %add3A = arith.addi %mul3A_0, %arg1 : i32
    "tpu.region"() ({
      %run_scoped3A = tpu.sem_alloc : memref<!tpu.dma_semaphore, #tpu.memory_space<semaphore_mem>>
      %dma_start3A = arith.constant 0 : i32
      %dma_start3A_88 = arith.constant 0 : i32
      %dma_start3A_89 = tpu.memref_slice %arg2[%add3A, %dma_start3A, %dma_start3A_88] : memref<32x120x128xi32, #tpu.memory_space<hbm>> -> memref<1x120x128xi32, #tpu.memory_space<hbm>>
      %dma_start3A_90 = tpu.memref_squeeze %dma_start3A_89 : memref<1x120x128xi32, #tpu.memory_space<hbm>> -> memref<120x128xi32, #tpu.memory_space<hbm>>
      %dma_start3A_91 = arith.constant 0 : i32
      %dma_start3A_92 = arith.constant 0 : i32
      %dma_start3A_93 = tpu.memref_slice %arg2[%add3A, %dma_start3A_91, %dma_start3A_92] : memref<32x120x128xi32, #tpu.memory_space<hbm>> -> memref<1x120x128xi32, #tpu.memory_space<hbm>>
      %dma_start3A_94 = tpu.memref_squeeze %dma_start3A_93 : memref<1x120x128xi32, #tpu.memory_space<hbm>> -> memref<120x128xi32, #tpu.memory_space<hbm>>
      tpu.enqueue_dma source(%dma_start3A_94 : memref<120x128xi32, #tpu.memory_space<hbm>>) target(%arg7 : memref<120x128xi32, #tpu.memory_space<vmem>>) target_semaphore(%run_scoped3A : memref<!tpu.dma_semaphore, #tpu.memory_space<semaphore_mem>>)
      %dma_wait3A = arith.constant 0 : i32
      %dma_wait3A_95 = arith.constant 0 : i32
      %dma_wait3A_96 = tpu.memref_slice %arg2[%add3A, %dma_wait3A, %dma_wait3A_95] : memref<32x120x128xi32, #tpu.memory_space<hbm>> -> memref<1x120x128xi32, #tpu.memory_space<hbm>>
      %dma_wait3A_97 = tpu.memref_squeeze %dma_wait3A_96 : memref<1x120x128xi32, #tpu.memory_space<hbm>> -> memref<120x128xi32, #tpu.memory_space<hbm>>
      %dma_wait3A_98 = arith.constant 0 : i32
      %dma_wait3A_99 = arith.constant 0 : i32
      %dma_wait3A_100 = tpu.memref_slice %arg2[%add3A, %dma_wait3A_98, %dma_wait3A_99] : memref<32x120x128xi32, #tpu.memory_space<hbm>> -> memref<1x120x128xi32, #tpu.memory_space<hbm>>
      %dma_wait3A_101 = tpu.memref_squeeze %dma_wait3A_100 : memref<1x120x128xi32, #tpu.memory_space<hbm>> -> memref<120x128xi32, #tpu.memory_space<hbm>>
      tpu.wait_dma2 semaphore(%run_scoped3A : memref<!tpu.dma_semaphore, #tpu.memory_space<semaphore_mem>>) src(%dma_wait3A_101 : memref<120x128xi32, #tpu.memory_space<hbm>>) dst(%arg7 : memref<120x128xi32, #tpu.memory_space<vmem>>)
      tpu.yield
    }) : () -> ()
    "tpu.region"() ({
      %run_scoped3A = tpu.sem_alloc : memref<!tpu.dma_semaphore, #tpu.memory_space<semaphore_mem>>
      %dma_start3A = arith.constant 0 : i32
      %dma_start3A_88 = arith.constant 0 : i32
      %dma_start3A_89 = tpu.memref_slice %arg3[%add3A, %dma_start3A, %dma_start3A_88] : memref<32x120x128xi32, #tpu.memory_space<hbm>> -> memref<1x120x128xi32, #tpu.memory_space<hbm>>
      %dma_start3A_90 = tpu.memref_squeeze %dma_start3A_89 : memref<1x120x128xi32, #tpu.memory_space<hbm>> -> memref<120x128xi32, #tpu.memory_space<hbm>>
      %dma_start3A_91 = arith.constant 0 : i32
      %dma_start3A_92 = arith.constant 0 : i32
      %dma_start3A_93 = tpu.memref_slice %arg3[%add3A, %dma_start3A_91, %dma_start3A_92] : memref<32x120x128xi32, #tpu.memory_space<hbm>> -> memref<1x120x128xi32, #tpu.memory_space<hbm>>
      %dma_start3A_94 = tpu.memref_squeeze %dma_start3A_93 : memref<1x120x128xi32, #tpu.memory_space<hbm>> -> memref<120x128xi32, #tpu.memory_space<hbm>>
      tpu.enqueue_dma source(%dma_start3A_94 : memref<120x128xi32, #tpu.memory_space<hbm>>) target(%arg8 : memref<120x128xi32, #tpu.memory_space<vmem>>) target_semaphore(%run_scoped3A : memref<!tpu.dma_semaphore, #tpu.memory_space<semaphore_mem>>)
      %dma_wait3A = arith.constant 0 : i32
      %dma_wait3A_95 = arith.constant 0 : i32
      %dma_wait3A_96 = tpu.memref_slice %arg3[%add3A, %dma_wait3A, %dma_wait3A_95] : memref<32x120x128xi32, #tpu.memory_space<hbm>> -> memref<1x120x128xi32, #tpu.memory_space<hbm>>
      %dma_wait3A_97 = tpu.memref_squeeze %dma_wait3A_96 : memref<1x120x128xi32, #tpu.memory_space<hbm>> -> memref<120x128xi32, #tpu.memory_space<hbm>>
      %dma_wait3A_98 = arith.constant 0 : i32
      %dma_wait3A_99 = arith.constant 0 : i32
      %dma_wait3A_100 = tpu.memref_slice %arg3[%add3A, %dma_wait3A_98, %dma_wait3A_99] : memref<32x120x128xi32, #tpu.memory_space<hbm>> -> memref<1x120x128xi32, #tpu.memory_space<hbm>>
      %dma_wait3A_101 = tpu.memref_squeeze %dma_wait3A_100 : memref<1x120x128xi32, #tpu.memory_space<hbm>> -> memref<120x128xi32, #tpu.memory_space<hbm>>
      tpu.wait_dma2 semaphore(%run_scoped3A : memref<!tpu.dma_semaphore, #tpu.memory_space<semaphore_mem>>) src(%dma_wait3A_101 : memref<120x128xi32, #tpu.memory_space<hbm>>) dst(%arg8 : memref<120x128xi32, #tpu.memory_space<vmem>>)
      tpu.yield
    }) : () -> ()
    "tpu.region"() ({
      %run_scoped3A = tpu.sem_alloc : memref<!tpu.dma_semaphore, #tpu.memory_space<semaphore_mem>>
      tpu.enqueue_dma source(%arg5 : memref<128x128xf32, #tpu.memory_space<hbm>>) target(%arg9 : memref<128x128xf32, #tpu.memory_space<vmem>>) target_semaphore(%run_scoped3A : memref<!tpu.dma_semaphore, #tpu.memory_space<semaphore_mem>>)
      tpu.wait_dma2 semaphore(%run_scoped3A : memref<!tpu.dma_semaphore, #tpu.memory_space<semaphore_mem>>) src(%arg5 : memref<128x128xf32, #tpu.memory_space<hbm>>) dst(%arg9 : memref<128x128xf32, #tpu.memory_space<vmem>>)
      tpu.yield
    }) : () -> ()
    %mul3A_1 = arith.constant 640 : i32
    %mul3A_2 = arith.muli %arg1, %mul3A_1 : i32
    %add3A_3 = arith.constant 0 : i32
    %add3A_4 = arith.addi %mul3A_2, %add3A_3 : i32
    "tpu.region"() ({
      %run_scoped3A = tpu.sem_alloc : memref<!tpu.dma_semaphore, #tpu.memory_space<semaphore_mem>>
      %dma_start3A = arith.constant 0 : i32
      %dma_start3A_88 = tpu.memref_slice %arg11[%add3A_4, %dma_start3A] : memref<10240x128xf32, #tpu.memory_space<vmem_shared>> -> memref<128x128xf32, #tpu.memory_space<vmem_shared>>
      %dma_start3A_89 = arith.constant 0 : i32
      %dma_start3A_90 = tpu.memref_slice %arg11[%add3A_4, %dma_start3A_89] : memref<10240x128xf32, #tpu.memory_space<vmem_shared>> -> memref<128x128xf32, #tpu.memory_space<vmem_shared>>
      tpu.enqueue_dma source(%arg9 : memref<128x128xf32, #tpu.memory_space<vmem>>) target(%dma_start3A_90 : memref<128x128xf32, #tpu.memory_space<vmem_shared>>) target_semaphore(%run_scoped3A : memref<!tpu.dma_semaphore, #tpu.memory_space<semaphore_mem>>)
      %dma_wait3A = arith.constant 0 : i32
      %dma_wait3A_91 = tpu.memref_slice %arg11[%add3A_4, %dma_wait3A] : memref<10240x128xf32, #tpu.memory_space<vmem_shared>> -> memref<128x128xf32, #tpu.memory_space<vmem_shared>>
      %dma_wait3A_92 = arith.constant 0 : i32
      %dma_wait3A_93 = tpu.memref_slice %arg11[%add3A_4, %dma_wait3A_92] : memref<10240x128xf32, #tpu.memory_space<vmem_shared>> -> memref<128x128xf32, #tpu.memory_space<vmem_shared>>
      tpu.wait_dma2 semaphore(%run_scoped3A : memref<!tpu.dma_semaphore, #tpu.memory_space<semaphore_mem>>) src(%arg9 : memref<128x128xf32, #tpu.memory_space<vmem>>) dst(%dma_wait3A_93 : memref<128x128xf32, #tpu.memory_space<vmem_shared>>)
      tpu.yield
    }) : () -> ()
    %mul3A_5 = arith.constant 640 : i32
    %mul3A_6 = arith.muli %arg1, %mul3A_5 : i32
    %add3A_7 = arith.constant 128 : i32
    %add3A_8 = arith.addi %mul3A_6, %add3A_7 : i32
    "tpu.region"() ({
      %run_scoped3A = tpu.sem_alloc : memref<!tpu.dma_semaphore, #tpu.memory_space<semaphore_mem>>
      %dma_start3A = arith.constant 0 : i32
      %dma_start3A_88 = tpu.memref_slice %arg11[%add3A_8, %dma_start3A] : memref<10240x128xf32, #tpu.memory_space<vmem_shared>> -> memref<128x128xf32, #tpu.memory_space<vmem_shared>>
      %dma_start3A_89 = arith.constant 0 : i32
      %dma_start3A_90 = tpu.memref_slice %arg11[%add3A_8, %dma_start3A_89] : memref<10240x128xf32, #tpu.memory_space<vmem_shared>> -> memref<128x128xf32, #tpu.memory_space<vmem_shared>>
      tpu.enqueue_dma source(%arg9 : memref<128x128xf32, #tpu.memory_space<vmem>>) target(%dma_start3A_90 : memref<128x128xf32, #tpu.memory_space<vmem_shared>>) target_semaphore(%run_scoped3A : memref<!tpu.dma_semaphore, #tpu.memory_space<semaphore_mem>>)
      %dma_wait3A = arith.constant 0 : i32
      %dma_wait3A_91 = tpu.memref_slice %arg11[%add3A_8, %dma_wait3A] : memref<10240x128xf32, #tpu.memory_space<vmem_shared>> -> memref<128x128xf32, #tpu.memory_space<vmem_shared>>
      %dma_wait3A_92 = arith.constant 0 : i32
      %dma_wait3A_93 = tpu.memref_slice %arg11[%add3A_8, %dma_wait3A_92] : memref<10240x128xf32, #tpu.memory_space<vmem_shared>> -> memref<128x128xf32, #tpu.memory_space<vmem_shared>>
      tpu.wait_dma2 semaphore(%run_scoped3A : memref<!tpu.dma_semaphore, #tpu.memory_space<semaphore_mem>>) src(%arg9 : memref<128x128xf32, #tpu.memory_space<vmem>>) dst(%dma_wait3A_93 : memref<128x128xf32, #tpu.memory_space<vmem_shared>>)
      tpu.yield
    }) : () -> ()
    %mul3A_9 = arith.constant 640 : i32
    %mul3A_10 = arith.muli %arg1, %mul3A_9 : i32
    %add3A_11 = arith.constant 256 : i32
    %add3A_12 = arith.addi %mul3A_10, %add3A_11 : i32
    "tpu.region"() ({
      %run_scoped3A = tpu.sem_alloc : memref<!tpu.dma_semaphore, #tpu.memory_space<semaphore_mem>>
      %dma_start3A = arith.constant 0 : i32
      %dma_start3A_88 = tpu.memref_slice %arg11[%add3A_12, %dma_start3A] : memref<10240x128xf32, #tpu.memory_space<vmem_shared>> -> memref<128x128xf32, #tpu.memory_space<vmem_shared>>
      %dma_start3A_89 = arith.constant 0 : i32
      %dma_start3A_90 = tpu.memref_slice %arg11[%add3A_12, %dma_start3A_89] : memref<10240x128xf32, #tpu.memory_space<vmem_shared>> -> memref<128x128xf32, #tpu.memory_space<vmem_shared>>
      tpu.enqueue_dma source(%arg9 : memref<128x128xf32, #tpu.memory_space<vmem>>) target(%dma_start3A_90 : memref<128x128xf32, #tpu.memory_space<vmem_shared>>) target_semaphore(%run_scoped3A : memref<!tpu.dma_semaphore, #tpu.memory_space<semaphore_mem>>)
      %dma_wait3A = arith.constant 0 : i32
      %dma_wait3A_91 = tpu.memref_slice %arg11[%add3A_12, %dma_wait3A] : memref<10240x128xf32, #tpu.memory_space<vmem_shared>> -> memref<128x128xf32, #tpu.memory_space<vmem_shared>>
      %dma_wait3A_92 = arith.constant 0 : i32
      %dma_wait3A_93 = tpu.memref_slice %arg11[%add3A_12, %dma_wait3A_92] : memref<10240x128xf32, #tpu.memory_space<vmem_shared>> -> memref<128x128xf32, #tpu.memory_space<vmem_shared>>
      tpu.wait_dma2 semaphore(%run_scoped3A : memref<!tpu.dma_semaphore, #tpu.memory_space<semaphore_mem>>) src(%arg9 : memref<128x128xf32, #tpu.memory_space<vmem>>) dst(%dma_wait3A_93 : memref<128x128xf32, #tpu.memory_space<vmem_shared>>)
      tpu.yield
    }) : () -> ()
    %mul3A_13 = arith.constant 640 : i32
    %mul3A_14 = arith.muli %arg1, %mul3A_13 : i32
    %add3A_15 = arith.constant 384 : i32
    %add3A_16 = arith.addi %mul3A_14, %add3A_15 : i32
    "tpu.region"() ({
      %run_scoped3A = tpu.sem_alloc : memref<!tpu.dma_semaphore, #tpu.memory_space<semaphore_mem>>
      %dma_start3A = arith.constant 0 : i32
      %dma_start3A_88 = tpu.memref_slice %arg11[%add3A_16, %dma_start3A] : memref<10240x128xf32, #tpu.memory_space<vmem_shared>> -> memref<128x128xf32, #tpu.memory_space<vmem_shared>>
      %dma_start3A_89 = arith.constant 0 : i32
      %dma_start3A_90 = tpu.memref_slice %arg11[%add3A_16, %dma_start3A_89] : memref<10240x128xf32, #tpu.memory_space<vmem_shared>> -> memref<128x128xf32, #tpu.memory_space<vmem_shared>>
      tpu.enqueue_dma source(%arg9 : memref<128x128xf32, #tpu.memory_space<vmem>>) target(%dma_start3A_90 : memref<128x128xf32, #tpu.memory_space<vmem_shared>>) target_semaphore(%run_scoped3A : memref<!tpu.dma_semaphore, #tpu.memory_space<semaphore_mem>>)
      %dma_wait3A = arith.constant 0 : i32
      %dma_wait3A_91 = tpu.memref_slice %arg11[%add3A_16, %dma_wait3A] : memref<10240x128xf32, #tpu.memory_space<vmem_shared>> -> memref<128x128xf32, #tpu.memory_space<vmem_shared>>
      %dma_wait3A_92 = arith.constant 0 : i32
      %dma_wait3A_93 = tpu.memref_slice %arg11[%add3A_16, %dma_wait3A_92] : memref<10240x128xf32, #tpu.memory_space<vmem_shared>> -> memref<128x128xf32, #tpu.memory_space<vmem_shared>>
      tpu.wait_dma2 semaphore(%run_scoped3A : memref<!tpu.dma_semaphore, #tpu.memory_space<semaphore_mem>>) src(%arg9 : memref<128x128xf32, #tpu.memory_space<vmem>>) dst(%dma_wait3A_93 : memref<128x128xf32, #tpu.memory_space<vmem_shared>>)
      tpu.yield
    }) : () -> ()
    %mul3A_17 = arith.constant 640 : i32
    %mul3A_18 = arith.muli %arg1, %mul3A_17 : i32
    %add3A_19 = arith.constant 512 : i32
    %add3A_20 = arith.addi %mul3A_18, %add3A_19 : i32
    "tpu.region"() ({
      %run_scoped3A = tpu.sem_alloc : memref<!tpu.dma_semaphore, #tpu.memory_space<semaphore_mem>>
      %dma_start3A = arith.constant 0 : i32
      %dma_start3A_88 = tpu.memref_slice %arg11[%add3A_20, %dma_start3A] : memref<10240x128xf32, #tpu.memory_space<vmem_shared>> -> memref<128x128xf32, #tpu.memory_space<vmem_shared>>
      %dma_start3A_89 = arith.constant 0 : i32
      %dma_start3A_90 = tpu.memref_slice %arg11[%add3A_20, %dma_start3A_89] : memref<10240x128xf32, #tpu.memory_space<vmem_shared>> -> memref<128x128xf32, #tpu.memory_space<vmem_shared>>
      tpu.enqueue_dma source(%arg9 : memref<128x128xf32, #tpu.memory_space<vmem>>) target(%dma_start3A_90 : memref<128x128xf32, #tpu.memory_space<vmem_shared>>) target_semaphore(%run_scoped3A : memref<!tpu.dma_semaphore, #tpu.memory_space<semaphore_mem>>)
      %dma_wait3A = arith.constant 0 : i32
      %dma_wait3A_91 = tpu.memref_slice %arg11[%add3A_20, %dma_wait3A] : memref<10240x128xf32, #tpu.memory_space<vmem_shared>> -> memref<128x128xf32, #tpu.memory_space<vmem_shared>>
      %dma_wait3A_92 = arith.constant 0 : i32
      %dma_wait3A_93 = tpu.memref_slice %arg11[%add3A_20, %dma_wait3A_92] : memref<10240x128xf32, #tpu.memory_space<vmem_shared>> -> memref<128x128xf32, #tpu.memory_space<vmem_shared>>
      tpu.wait_dma2 semaphore(%run_scoped3A : memref<!tpu.dma_semaphore, #tpu.memory_space<semaphore_mem>>) src(%arg9 : memref<128x128xf32, #tpu.memory_space<vmem>>) dst(%dma_wait3A_93 : memref<128x128xf32, #tpu.memory_space<vmem_shared>>)
      tpu.yield
    }) : () -> ()
    %barrier3A = arith.constant 0 : index
    tpu.barrier barrier_id(%barrier3A)
    %eq3A = arith.constant 0 : i32
    %eq3A_21 = arith.cmpi eq, %arg0, %eq3A : i32
    %jit3A = arith.constant 120 : i32
    %jit3A_22 = arith.constant 40 : i32
    %select_n3A = arith.select %eq3A_21, %jit3A, %jit3A_22 : i32
    %while3A = arith.constant 0 : i32
    %while3A_23 = arith.constant 0 : i32
    %while3A_24 = arith.subi %select_n3A, %while3A_23 : i32
    %while3A_25 = arith.addi %while3A_23, %while3A_24 : i32
    %while3A_26 = arith.constant 1 : i32
    %while3A_27 = arith.divsi %while3A_24, %while3A_26 : i32
    %while3A_28 = arith.muli %while3A_27, %while3A_26 : i32
    %while3A_29 = arith.addi %while3A_23, %while3A_28 : i32
    %while3A_30 = arith.constant 1 : i32
    scf.for %while3A_88 = %while3A_23 to %while3A_29 step %while3A_30  : i32 {
      %dma_start3A = arith.constant 0 : i32
      %dma_start3A_89 = tpu.memref_slice %arg7[%while3A_88, %dma_start3A] : memref<120x128xi32, #tpu.memory_space<vmem>> -> memref<1x128xi32, #tpu.memory_space<vmem>>
      %dma_start3A_90 = tpu.memref_squeeze %dma_start3A_89 : memref<1x128xi32, #tpu.memory_space<vmem>> -> memref<128xi32, #tpu.memory_space<vmem>>
      %dma_start3A_91 = arith.constant 0 : i32
      %dma_start3A_92 = arith.constant 0 : i32
      %dma_start3A_93 = tpu.memref_slice %arg4[%dma_start3A_91, %dma_start3A_92] : memref<10240x128xf32, #tpu.memory_space<hbm>> -> memref<10240x128xf32, #tpu.memory_space<hbm>>
      tpu.enqueue_indirect_dma source(%dma_start3A_93 : memref<10240x128xf32, #tpu.memory_space<hbm>>) target(%arg9 : memref<128x128xf32, #tpu.memory_space<vmem>>) offsets(%dma_start3A_90 : memref<128xi32, #tpu.memory_space<vmem>>) semaphore(%arg10 : memref<!tpu.dma_semaphore, #tpu.memory_space<semaphore_mem>>)
      %dma_wait3A = arith.constant 0 : i32
      %dma_wait3A_94 = tpu.memref_slice %arg7[%while3A_88, %dma_wait3A] : memref<120x128xi32, #tpu.memory_space<vmem>> -> memref<1x128xi32, #tpu.memory_space<vmem>>
      %dma_wait3A_95 = tpu.memref_squeeze %dma_wait3A_94 : memref<1x128xi32, #tpu.memory_space<vmem>> -> memref<128xi32, #tpu.memory_space<vmem>>
      %dma_wait3A_96 = arith.constant 0 : i32
      %dma_wait3A_97 = arith.constant 0 : i32
      %dma_wait3A_98 = tpu.memref_slice %arg4[%dma_wait3A_96, %dma_wait3A_97] : memref<10240x128xf32, #tpu.memory_space<hbm>> -> memref<10240x128xf32, #tpu.memory_space<hbm>>
      tpu.wait_indirect_dma semaphore(%arg10 : memref<!tpu.dma_semaphore, #tpu.memory_space<semaphore_mem>>) src(%dma_wait3A_98 : memref<10240x128xf32, #tpu.memory_space<hbm>>) dst(%arg9 : memref<128x128xf32, #tpu.memory_space<vmem>>)
      "tpu.region"() ({
        %run_scoped3A = tpu.sem_alloc : memref<!tpu.dma_semaphore, #tpu.memory_space<semaphore_mem>>
        %dma_start3A_99 = arith.constant 0 : i32
        %dma_start3A_100 = tpu.memref_slice %arg8[%while3A_88, %dma_start3A_99] : memref<120x128xi32, #tpu.memory_space<vmem>> -> memref<1x128xi32, #tpu.memory_space<vmem>>
        %dma_start3A_101 = tpu.memref_squeeze %dma_start3A_100 : memref<1x128xi32, #tpu.memory_space<vmem>> -> memref<128xi32, #tpu.memory_space<vmem>>
        %dma_start3A_102 = arith.constant 0 : i32
        %dma_start3A_103 = arith.constant 0 : i32
        %dma_start3A_104 = tpu.memref_slice %arg11[%dma_start3A_102, %dma_start3A_103] : memref<10240x128xf32, #tpu.memory_space<vmem_shared>> -> memref<10240x128xf32, #tpu.memory_space<vmem_shared>>
        tpu.enqueue_indirect_dma source(%arg9 : memref<128x128xf32, #tpu.memory_space<vmem>>) target(%dma_start3A_104 : memref<10240x128xf32, #tpu.memory_space<vmem_shared>>) offsets(%dma_start3A_101 : memref<128xi32, #tpu.memory_space<vmem>>) semaphore(%run_scoped3A : memref<!tpu.dma_semaphore, #tpu.memory_space<semaphore_mem>>) {add = true}
        %dma_wait3A_105 = arith.constant 0 : i32
        %dma_wait3A_106 = tpu.memref_slice %arg8[%while3A_88, %dma_wait3A_105] : memref<120x128xi32, #tpu.memory_space<vmem>> -> memref<1x128xi32, #tpu.memory_space<vmem>>
        %dma_wait3A_107 = tpu.memref_squeeze %dma_wait3A_106 : memref<1x128xi32, #tpu.memory_space<vmem>> -> memref<128xi32, #tpu.memory_space<vmem>>
        %dma_wait3A_108 = arith.constant 0 : i32
        %dma_wait3A_109 = arith.constant 0 : i32
        %dma_wait3A_110 = tpu.memref_slice %arg11[%dma_wait3A_108, %dma_wait3A_109] : memref<10240x128xf32, #tpu.memory_space<vmem_shared>> -> memref<10240x128xf32, #tpu.memory_space<vmem_shared>>
        tpu.wait_indirect_dma semaphore(%run_scoped3A : memref<!tpu.dma_semaphore, #tpu.memory_space<semaphore_mem>>) src(%arg9 : memref<128x128xf32, #tpu.memory_space<vmem>>) dst(%dma_wait3A_110 : memref<10240x128xf32, #tpu.memory_space<vmem_shared>>)
        tpu.yield
      }) : () -> ()
    }
    %while3A_31 = arith.constant 1 : i32
    scf.for %while3A_88 = %while3A_29 to %while3A_25 step %while3A_31  : i32 {
      %dma_start3A = arith.constant 0 : i32
      %dma_start3A_89 = tpu.memref_slice %arg7[%while3A_88, %dma_start3A] : memref<120x128xi32, #tpu.memory_space<vmem>> -> memref<1x128xi32, #tpu.memory_space<vmem>>
      %dma_start3A_90 = tpu.memref_squeeze %dma_start3A_89 : memref<1x128xi32, #tpu.memory_space<vmem>> -> memref<128xi32, #tpu.memory_space<vmem>>
      %dma_start3A_91 = arith.constant 0 : i32
      %dma_start3A_92 = arith.constant 0 : i32
      %dma_start3A_93 = tpu.memref_slice %arg4[%dma_start3A_91, %dma_start3A_92] : memref<10240x128xf32, #tpu.memory_space<hbm>> -> memref<10240x128xf32, #tpu.memory_space<hbm>>
      tpu.enqueue_indirect_dma source(%dma_start3A_93 : memref<10240x128xf32, #tpu.memory_space<hbm>>) target(%arg9 : memref<128x128xf32, #tpu.memory_space<vmem>>) offsets(%dma_start3A_90 : memref<128xi32, #tpu.memory_space<vmem>>) semaphore(%arg10 : memref<!tpu.dma_semaphore, #tpu.memory_space<semaphore_mem>>)
      %dma_wait3A = arith.constant 0 : i32
      %dma_wait3A_94 = tpu.memref_slice %arg7[%while3A_88, %dma_wait3A] : memref<120x128xi32, #tpu.memory_space<vmem>> -> memref<1x128xi32, #tpu.memory_space<vmem>>
      %dma_wait3A_95 = tpu.memref_squeeze %dma_wait3A_94 : memref<1x128xi32, #tpu.memory_space<vmem>> -> memref<128xi32, #tpu.memory_space<vmem>>
      %dma_wait3A_96 = arith.constant 0 : i32
      %dma_wait3A_97 = arith.constant 0 : i32
      %dma_wait3A_98 = tpu.memref_slice %arg4[%dma_wait3A_96, %dma_wait3A_97] : memref<10240x128xf32, #tpu.memory_space<hbm>> -> memref<10240x128xf32, #tpu.memory_space<hbm>>
      tpu.wait_indirect_dma semaphore(%arg10 : memref<!tpu.dma_semaphore, #tpu.memory_space<semaphore_mem>>) src(%dma_wait3A_98 : memref<10240x128xf32, #tpu.memory_space<hbm>>) dst(%arg9 : memref<128x128xf32, #tpu.memory_space<vmem>>)
      "tpu.region"() ({
        %run_scoped3A = tpu.sem_alloc : memref<!tpu.dma_semaphore, #tpu.memory_space<semaphore_mem>>
        %dma_start3A_99 = arith.constant 0 : i32
        %dma_start3A_100 = tpu.memref_slice %arg8[%while3A_88, %dma_start3A_99] : memref<120x128xi32, #tpu.memory_space<vmem>> -> memref<1x128xi32, #tpu.memory_space<vmem>>
        %dma_start3A_101 = tpu.memref_squeeze %dma_start3A_100 : memref<1x128xi32, #tpu.memory_space<vmem>> -> memref<128xi32, #tpu.memory_space<vmem>>
        %dma_start3A_102 = arith.constant 0 : i32
        %dma_start3A_103 = arith.constant 0 : i32
        %dma_start3A_104 = tpu.memref_slice %arg11[%dma_start3A_102, %dma_start3A_103] : memref<10240x128xf32, #tpu.memory_space<vmem_shared>> -> memref<10240x128xf32, #tpu.memory_space<vmem_shared>>
        tpu.enqueue_indirect_dma source(%arg9 : memref<128x128xf32, #tpu.memory_space<vmem>>) target(%dma_start3A_104 : memref<10240x128xf32, #tpu.memory_space<vmem_shared>>) offsets(%dma_start3A_101 : memref<128xi32, #tpu.memory_space<vmem>>) semaphore(%run_scoped3A : memref<!tpu.dma_semaphore, #tpu.memory_space<semaphore_mem>>) {add = true}
        %dma_wait3A_105 = arith.constant 0 : i32
        %dma_wait3A_106 = tpu.memref_slice %arg8[%while3A_88, %dma_wait3A_105] : memref<120x128xi32, #tpu.memory_space<vmem>> -> memref<1x128xi32, #tpu.memory_space<vmem>>
        %dma_wait3A_107 = tpu.memref_squeeze %dma_wait3A_106 : memref<1x128xi32, #tpu.memory_space<vmem>> -> memref<128xi32, #tpu.memory_space<vmem>>
        %dma_wait3A_108 = arith.constant 0 : i32
        %dma_wait3A_109 = arith.constant 0 : i32
        %dma_wait3A_110 = tpu.memref_slice %arg11[%dma_wait3A_108, %dma_wait3A_109] : memref<10240x128xf32, #tpu.memory_space<vmem_shared>> -> memref<10240x128xf32, #tpu.memory_space<vmem_shared>>
        tpu.wait_indirect_dma semaphore(%run_scoped3A : memref<!tpu.dma_semaphore, #tpu.memory_space<semaphore_mem>>) src(%arg9 : memref<128x128xf32, #tpu.memory_space<vmem>>) dst(%dma_wait3A_110 : memref<10240x128xf32, #tpu.memory_space<vmem_shared>>)
        tpu.yield
      }) : () -> ()
    }
    %barrier3A_32 = arith.constant 0 : index
    tpu.barrier barrier_id(%barrier3A_32)
    %mul3A_33 = arith.constant 640 : i32
    %mul3A_34 = arith.muli %arg1, %mul3A_33 : i32
    %add3A_35 = arith.constant 0 : i32
    %add3A_36 = arith.addi %mul3A_34, %add3A_35 : i32
    "tpu.region"() ({
      %run_scoped3A = tpu.sem_alloc : memref<!tpu.dma_semaphore, #tpu.memory_space<semaphore_mem>>
      %dma_start3A = arith.constant 0 : i32
      %dma_start3A_88 = tpu.memref_slice %arg11[%add3A_36, %dma_start3A] : memref<10240x128xf32, #tpu.memory_space<vmem_shared>> -> memref<128x128xf32, #tpu.memory_space<vmem_shared>>
      %dma_start3A_89 = arith.constant 0 : i32
      %dma_start3A_90 = tpu.memref_slice %arg11[%add3A_36, %dma_start3A_89] : memref<10240x128xf32, #tpu.memory_space<vmem_shared>> -> memref<128x128xf32, #tpu.memory_space<vmem_shared>>
      tpu.enqueue_dma source(%dma_start3A_90 : memref<128x128xf32, #tpu.memory_space<vmem_shared>>) target(%arg9 : memref<128x128xf32, #tpu.memory_space<vmem>>) target_semaphore(%run_scoped3A : memref<!tpu.dma_semaphore, #tpu.memory_space<semaphore_mem>>)
      %dma_wait3A = arith.constant 0 : i32
      %dma_wait3A_91 = tpu.memref_slice %arg11[%add3A_36, %dma_wait3A] : memref<10240x128xf32, #tpu.memory_space<vmem_shared>> -> memref<128x128xf32, #tpu.memory_space<vmem_shared>>
      %dma_wait3A_92 = arith.constant 0 : i32
      %dma_wait3A_93 = tpu.memref_slice %arg11[%add3A_36, %dma_wait3A_92] : memref<10240x128xf32, #tpu.memory_space<vmem_shared>> -> memref<128x128xf32, #tpu.memory_space<vmem_shared>>
      tpu.wait_dma2 semaphore(%run_scoped3A : memref<!tpu.dma_semaphore, #tpu.memory_space<semaphore_mem>>) src(%dma_wait3A_93 : memref<128x128xf32, #tpu.memory_space<vmem_shared>>) dst(%arg9 : memref<128x128xf32, #tpu.memory_space<vmem>>)
      tpu.yield
    }) : () -> ()
    %mul3A_37 = arith.constant 10240 : i32
    %mul3A_38 = arith.muli %arg0, %mul3A_37 : i32
    %mul3A_39 = arith.constant 640 : i32
    %mul3A_40 = arith.muli %arg1, %mul3A_39 : i32
    %add3A_41 = arith.addi %mul3A_38, %mul3A_40 : i32
    %add3A_42 = arith.constant 0 : i32
    %add3A_43 = arith.addi %add3A_41, %add3A_42 : i32
    "tpu.region"() ({
      %run_scoped3A = tpu.sem_alloc : memref<!tpu.dma_semaphore, #tpu.memory_space<semaphore_mem>>
      %dma_start3A = arith.constant 0 : i32
      %dma_start3A_88 = tpu.memref_slice %arg6[%add3A_43, %dma_start3A] : memref<20480x128xf32, #tpu.memory_space<hbm>> -> memref<128x128xf32, #tpu.memory_space<hbm>>
      %dma_start3A_89 = arith.constant 0 : i32
      %dma_start3A_90 = tpu.memref_slice %arg6[%add3A_43, %dma_start3A_89] : memref<20480x128xf32, #tpu.memory_space<hbm>> -> memref<128x128xf32, #tpu.memory_space<hbm>>
      tpu.enqueue_dma source(%arg9 : memref<128x128xf32, #tpu.memory_space<vmem>>) target(%dma_start3A_90 : memref<128x128xf32, #tpu.memory_space<hbm>>) target_semaphore(%run_scoped3A : memref<!tpu.dma_semaphore, #tpu.memory_space<semaphore_mem>>)
      %dma_wait3A = arith.constant 0 : i32
      %dma_wait3A_91 = tpu.memref_slice %arg6[%add3A_43, %dma_wait3A] : memref<20480x128xf32, #tpu.memory_space<hbm>> -> memref<128x128xf32, #tpu.memory_space<hbm>>
      %dma_wait3A_92 = arith.constant 0 : i32
      %dma_wait3A_93 = tpu.memref_slice %arg6[%add3A_43, %dma_wait3A_92] : memref<20480x128xf32, #tpu.memory_space<hbm>> -> memref<128x128xf32, #tpu.memory_space<hbm>>
      tpu.wait_dma2 semaphore(%run_scoped3A : memref<!tpu.dma_semaphore, #tpu.memory_space<semaphore_mem>>) src(%arg9 : memref<128x128xf32, #tpu.memory_space<vmem>>) dst(%dma_wait3A_93 : memref<128x128xf32, #tpu.memory_space<hbm>>)
      tpu.yield
    }) : () -> ()
    %mul3A_44 = arith.constant 640 : i32
    %mul3A_45 = arith.muli %arg1, %mul3A_44 : i32
    %add3A_46 = arith.constant 128 : i32
    %add3A_47 = arith.addi %mul3A_45, %add3A_46 : i32
    "tpu.region"() ({
      %run_scoped3A = tpu.sem_alloc : memref<!tpu.dma_semaphore, #tpu.memory_space<semaphore_mem>>
      %dma_start3A = arith.constant 0 : i32
      %dma_start3A_88 = tpu.memref_slice %arg11[%add3A_47, %dma_start3A] : memref<10240x128xf32, #tpu.memory_space<vmem_shared>> -> memref<128x128xf32, #tpu.memory_space<vmem_shared>>
      %dma_start3A_89 = arith.constant 0 : i32
      %dma_start3A_90 = tpu.memref_slice %arg11[%add3A_47, %dma_start3A_89] : memref<10240x128xf32, #tpu.memory_space<vmem_shared>> -> memref<128x128xf32, #tpu.memory_space<vmem_shared>>
      tpu.enqueue_dma source(%dma_start3A_90 : memref<128x128xf32, #tpu.memory_space<vmem_shared>>) target(%arg9 : memref<128x128xf32, #tpu.memory_space<vmem>>) target_semaphore(%run_scoped3A : memref<!tpu.dma_semaphore, #tpu.memory_space<semaphore_mem>>)
      %dma_wait3A = arith.constant 0 : i32
      %dma_wait3A_91 = tpu.memref_slice %arg11[%add3A_47, %dma_wait3A] : memref<10240x128xf32, #tpu.memory_space<vmem_shared>> -> memref<128x128xf32, #tpu.memory_space<vmem_shared>>
      %dma_wait3A_92 = arith.constant 0 : i32
      %dma_wait3A_93 = tpu.memref_slice %arg11[%add3A_47, %dma_wait3A_92] : memref<10240x128xf32, #tpu.memory_space<vmem_shared>> -> memref<128x128xf32, #tpu.memory_space<vmem_shared>>
      tpu.wait_dma2 semaphore(%run_scoped3A : memref<!tpu.dma_semaphore, #tpu.memory_space<semaphore_mem>>) src(%dma_wait3A_93 : memref<128x128xf32, #tpu.memory_space<vmem_shared>>) dst(%arg9 : memref<128x128xf32, #tpu.memory_space<vmem>>)
      tpu.yield
    }) : () -> ()
    %mul3A_48 = arith.constant 10240 : i32
    %mul3A_49 = arith.muli %arg0, %mul3A_48 : i32
    %mul3A_50 = arith.constant 640 : i32
    %mul3A_51 = arith.muli %arg1, %mul3A_50 : i32
    %add3A_52 = arith.addi %mul3A_49, %mul3A_51 : i32
    %add3A_53 = arith.constant 128 : i32
    %add3A_54 = arith.addi %add3A_52, %add3A_53 : i32
    "tpu.region"() ({
      %run_scoped3A = tpu.sem_alloc : memref<!tpu.dma_semaphore, #tpu.memory_space<semaphore_mem>>
      %dma_start3A = arith.constant 0 : i32
      %dma_start3A_88 = tpu.memref_slice %arg6[%add3A_54, %dma_start3A] : memref<20480x128xf32, #tpu.memory_space<hbm>> -> memref<128x128xf32, #tpu.memory_space<hbm>>
      %dma_start3A_89 = arith.constant 0 : i32
      %dma_start3A_90 = tpu.memref_slice %arg6[%add3A_54, %dma_start3A_89] : memref<20480x128xf32, #tpu.memory_space<hbm>> -> memref<128x128xf32, #tpu.memory_space<hbm>>
      tpu.enqueue_dma source(%arg9 : memref<128x128xf32, #tpu.memory_space<vmem>>) target(%dma_start3A_90 : memref<128x128xf32, #tpu.memory_space<hbm>>) target_semaphore(%run_scoped3A : memref<!tpu.dma_semaphore, #tpu.memory_space<semaphore_mem>>)
      %dma_wait3A = arith.constant 0 : i32
      %dma_wait3A_91 = tpu.memref_slice %arg6[%add3A_54, %dma_wait3A] : memref<20480x128xf32, #tpu.memory_space<hbm>> -> memref<128x128xf32, #tpu.memory_space<hbm>>
      %dma_wait3A_92 = arith.constant 0 : i32
      %dma_wait3A_93 = tpu.memref_slice %arg6[%add3A_54, %dma_wait3A_92] : memref<20480x128xf32, #tpu.memory_space<hbm>> -> memref<128x128xf32, #tpu.memory_space<hbm>>
      tpu.wait_dma2 semaphore(%run_scoped3A : memref<!tpu.dma_semaphore, #tpu.memory_space<semaphore_mem>>) src(%arg9 : memref<128x128xf32, #tpu.memory_space<vmem>>) dst(%dma_wait3A_93 : memref<128x128xf32, #tpu.memory_space<hbm>>)
      tpu.yield
    }) : () -> ()
    %mul3A_55 = arith.constant 640 : i32
    %mul3A_56 = arith.muli %arg1, %mul3A_55 : i32
    %add3A_57 = arith.constant 256 : i32
    %add3A_58 = arith.addi %mul3A_56, %add3A_57 : i32
    "tpu.region"() ({
      %run_scoped3A = tpu.sem_alloc : memref<!tpu.dma_semaphore, #tpu.memory_space<semaphore_mem>>
      %dma_start3A = arith.constant 0 : i32
      %dma_start3A_88 = tpu.memref_slice %arg11[%add3A_58, %dma_start3A] : memref<10240x128xf32, #tpu.memory_space<vmem_shared>> -> memref<128x128xf32, #tpu.memory_space<vmem_shared>>
      %dma_start3A_89 = arith.constant 0 : i32
      %dma_start3A_90 = tpu.memref_slice %arg11[%add3A_58, %dma_start3A_89] : memref<10240x128xf32, #tpu.memory_space<vmem_shared>> -> memref<128x128xf32, #tpu.memory_space<vmem_shared>>
      tpu.enqueue_dma source(%dma_start3A_90 : memref<128x128xf32, #tpu.memory_space<vmem_shared>>) target(%arg9 : memref<128x128xf32, #tpu.memory_space<vmem>>) target_semaphore(%run_scoped3A : memref<!tpu.dma_semaphore, #tpu.memory_space<semaphore_mem>>)
      %dma_wait3A = arith.constant 0 : i32
      %dma_wait3A_91 = tpu.memref_slice %arg11[%add3A_58, %dma_wait3A] : memref<10240x128xf32, #tpu.memory_space<vmem_shared>> -> memref<128x128xf32, #tpu.memory_space<vmem_shared>>
      %dma_wait3A_92 = arith.constant 0 : i32
      %dma_wait3A_93 = tpu.memref_slice %arg11[%add3A_58, %dma_wait3A_92] : memref<10240x128xf32, #tpu.memory_space<vmem_shared>> -> memref<128x128xf32, #tpu.memory_space<vmem_shared>>
      tpu.wait_dma2 semaphore(%run_scoped3A : memref<!tpu.dma_semaphore, #tpu.memory_space<semaphore_mem>>) src(%dma_wait3A_93 : memref<128x128xf32, #tpu.memory_space<vmem_shared>>) dst(%arg9 : memref<128x128xf32, #tpu.memory_space<vmem>>)
      tpu.yield
    }) : () -> ()
    %mul3A_59 = arith.constant 10240 : i32
    %mul3A_60 = arith.muli %arg0, %mul3A_59 : i32
    %mul3A_61 = arith.constant 640 : i32
    %mul3A_62 = arith.muli %arg1, %mul3A_61 : i32
    %add3A_63 = arith.addi %mul3A_60, %mul3A_62 : i32
    %add3A_64 = arith.constant 256 : i32
    %add3A_65 = arith.addi %add3A_63, %add3A_64 : i32
    "tpu.region"() ({
      %run_scoped3A = tpu.sem_alloc : memref<!tpu.dma_semaphore, #tpu.memory_space<semaphore_mem>>
      %dma_start3A = arith.constant 0 : i32
      %dma_start3A_88 = tpu.memref_slice %arg6[%add3A_65, %dma_start3A] : memref<20480x128xf32, #tpu.memory_space<hbm>> -> memref<128x128xf32, #tpu.memory_space<hbm>>
      %dma_start3A_89 = arith.constant 0 : i32
      %dma_start3A_90 = tpu.memref_slice %arg6[%add3A_65, %dma_start3A_89] : memref<20480x128xf32, #tpu.memory_space<hbm>> -> memref<128x128xf32, #tpu.memory_space<hbm>>
      tpu.enqueue_dma source(%arg9 : memref<128x128xf32, #tpu.memory_space<vmem>>) target(%dma_start3A_90 : memref<128x128xf32, #tpu.memory_space<hbm>>) target_semaphore(%run_scoped3A : memref<!tpu.dma_semaphore, #tpu.memory_space<semaphore_mem>>)
      %dma_wait3A = arith.constant 0 : i32
      %dma_wait3A_91 = tpu.memref_slice %arg6[%add3A_65, %dma_wait3A] : memref<20480x128xf32, #tpu.memory_space<hbm>> -> memref<128x128xf32, #tpu.memory_space<hbm>>
      %dma_wait3A_92 = arith.constant 0 : i32
      %dma_wait3A_93 = tpu.memref_slice %arg6[%add3A_65, %dma_wait3A_92] : memref<20480x128xf32, #tpu.memory_space<hbm>> -> memref<128x128xf32, #tpu.memory_space<hbm>>
      tpu.wait_dma2 semaphore(%run_scoped3A : memref<!tpu.dma_semaphore, #tpu.memory_space<semaphore_mem>>) src(%arg9 : memref<128x128xf32, #tpu.memory_space<vmem>>) dst(%dma_wait3A_93 : memref<128x128xf32, #tpu.memory_space<hbm>>)
      tpu.yield
    }) : () -> ()
    %mul3A_66 = arith.constant 640 : i32
    %mul3A_67 = arith.muli %arg1, %mul3A_66 : i32
    %add3A_68 = arith.constant 384 : i32
    %add3A_69 = arith.addi %mul3A_67, %add3A_68 : i32
    "tpu.region"() ({
      %run_scoped3A = tpu.sem_alloc : memref<!tpu.dma_semaphore, #tpu.memory_space<semaphore_mem>>
      %dma_start3A = arith.constant 0 : i32
      %dma_start3A_88 = tpu.memref_slice %arg11[%add3A_69, %dma_start3A] : memref<10240x128xf32, #tpu.memory_space<vmem_shared>> -> memref<128x128xf32, #tpu.memory_space<vmem_shared>>
      %dma_start3A_89 = arith.constant 0 : i32
      %dma_start3A_90 = tpu.memref_slice %arg11[%add3A_69, %dma_start3A_89] : memref<10240x128xf32, #tpu.memory_space<vmem_shared>> -> memref<128x128xf32, #tpu.memory_space<vmem_shared>>
      tpu.enqueue_dma source(%dma_start3A_90 : memref<128x128xf32, #tpu.memory_space<vmem_shared>>) target(%arg9 : memref<128x128xf32, #tpu.memory_space<vmem>>) target_semaphore(%run_scoped3A : memref<!tpu.dma_semaphore, #tpu.memory_space<semaphore_mem>>)
      %dma_wait3A = arith.constant 0 : i32
      %dma_wait3A_91 = tpu.memref_slice %arg11[%add3A_69, %dma_wait3A] : memref<10240x128xf32, #tpu.memory_space<vmem_shared>> -> memref<128x128xf32, #tpu.memory_space<vmem_shared>>
      %dma_wait3A_92 = arith.constant 0 : i32
      %dma_wait3A_93 = tpu.memref_slice %arg11[%add3A_69, %dma_wait3A_92] : memref<10240x128xf32, #tpu.memory_space<vmem_shared>> -> memref<128x128xf32, #tpu.memory_space<vmem_shared>>
      tpu.wait_dma2 semaphore(%run_scoped3A : memref<!tpu.dma_semaphore, #tpu.memory_space<semaphore_mem>>) src(%dma_wait3A_93 : memref<128x128xf32, #tpu.memory_space<vmem_shared>>) dst(%arg9 : memref<128x128xf32, #tpu.memory_space<vmem>>)
      tpu.yield
    }) : () -> ()
    %mul3A_70 = arith.constant 10240 : i32
    %mul3A_71 = arith.muli %arg0, %mul3A_70 : i32
    %mul3A_72 = arith.constant 640 : i32
    %mul3A_73 = arith.muli %arg1, %mul3A_72 : i32
    %add3A_74 = arith.addi %mul3A_71, %mul3A_73 : i32
    %add3A_75 = arith.constant 384 : i32
    %add3A_76 = arith.addi %add3A_74, %add3A_75 : i32
    "tpu.region"() ({
      %run_scoped3A = tpu.sem_alloc : memref<!tpu.dma_semaphore, #tpu.memory_space<semaphore_mem>>
      %dma_start3A = arith.constant 0 : i32
      %dma_start3A_88 = tpu.memref_slice %arg6[%add3A_76, %dma_start3A] : memref<20480x128xf32, #tpu.memory_space<hbm>> -> memref<128x128xf32, #tpu.memory_space<hbm>>
      %dma_start3A_89 = arith.constant 0 : i32
      %dma_start3A_90 = tpu.memref_slice %arg6[%add3A_76, %dma_start3A_89] : memref<20480x128xf32, #tpu.memory_space<hbm>> -> memref<128x128xf32, #tpu.memory_space<hbm>>
      tpu.enqueue_dma source(%arg9 : memref<128x128xf32, #tpu.memory_space<vmem>>) target(%dma_start3A_90 : memref<128x128xf32, #tpu.memory_space<hbm>>) target_semaphore(%run_scoped3A : memref<!tpu.dma_semaphore, #tpu.memory_space<semaphore_mem>>)
      %dma_wait3A = arith.constant 0 : i32
      %dma_wait3A_91 = tpu.memref_slice %arg6[%add3A_76, %dma_wait3A] : memref<20480x128xf32, #tpu.memory_space<hbm>> -> memref<128x128xf32, #tpu.memory_space<hbm>>
      %dma_wait3A_92 = arith.constant 0 : i32
      %dma_wait3A_93 = tpu.memref_slice %arg6[%add3A_76, %dma_wait3A_92] : memref<20480x128xf32, #tpu.memory_space<hbm>> -> memref<128x128xf32, #tpu.memory_space<hbm>>
      tpu.wait_dma2 semaphore(%run_scoped3A : memref<!tpu.dma_semaphore, #tpu.memory_space<semaphore_mem>>) src(%arg9 : memref<128x128xf32, #tpu.memory_space<vmem>>) dst(%dma_wait3A_93 : memref<128x128xf32, #tpu.memory_space<hbm>>)
      tpu.yield
    }) : () -> ()
    %mul3A_77 = arith.constant 640 : i32
    %mul3A_78 = arith.muli %arg1, %mul3A_77 : i32
    %add3A_79 = arith.constant 512 : i32
    %add3A_80 = arith.addi %mul3A_78, %add3A_79 : i32
    "tpu.region"() ({
      %run_scoped3A = tpu.sem_alloc : memref<!tpu.dma_semaphore, #tpu.memory_space<semaphore_mem>>
      %dma_start3A = arith.constant 0 : i32
      %dma_start3A_88 = tpu.memref_slice %arg11[%add3A_80, %dma_start3A] : memref<10240x128xf32, #tpu.memory_space<vmem_shared>> -> memref<128x128xf32, #tpu.memory_space<vmem_shared>>
      %dma_start3A_89 = arith.constant 0 : i32
      %dma_start3A_90 = tpu.memref_slice %arg11[%add3A_80, %dma_start3A_89] : memref<10240x128xf32, #tpu.memory_space<vmem_shared>> -> memref<128x128xf32, #tpu.memory_space<vmem_shared>>
      tpu.enqueue_dma source(%dma_start3A_90 : memref<128x128xf32, #tpu.memory_space<vmem_shared>>) target(%arg9 : memref<128x128xf32, #tpu.memory_space<vmem>>) target_semaphore(%run_scoped3A : memref<!tpu.dma_semaphore, #tpu.memory_space<semaphore_mem>>)
      %dma_wait3A = arith.constant 0 : i32
      %dma_wait3A_91 = tpu.memref_slice %arg11[%add3A_80, %dma_wait3A] : memref<10240x128xf32, #tpu.memory_space<vmem_shared>> -> memref<128x128xf32, #tpu.memory_space<vmem_shared>>
      %dma_wait3A_92 = arith.constant 0 : i32
      %dma_wait3A_93 = tpu.memref_slice %arg11[%add3A_80, %dma_wait3A_92] : memref<10240x128xf32, #tpu.memory_space<vmem_shared>> -> memref<128x128xf32, #tpu.memory_space<vmem_shared>>
      tpu.wait_dma2 semaphore(%run_scoped3A : memref<!tpu.dma_semaphore, #tpu.memory_space<semaphore_mem>>) src(%dma_wait3A_93 : memref<128x128xf32, #tpu.memory_space<vmem_shared>>) dst(%arg9 : memref<128x128xf32, #tpu.memory_space<vmem>>)
      tpu.yield
    }) : () -> ()
    %mul3A_81 = arith.constant 10240 : i32
    %mul3A_82 = arith.muli %arg0, %mul3A_81 : i32
    %mul3A_83 = arith.constant 640 : i32
    %mul3A_84 = arith.muli %arg1, %mul3A_83 : i32
    %add3A_85 = arith.addi %mul3A_82, %mul3A_84 : i32
    %add3A_86 = arith.constant 512 : i32
    %add3A_87 = arith.addi %add3A_85, %add3A_86 : i32
    "tpu.region"() ({
      %run_scoped3A = tpu.sem_alloc : memref<!tpu.dma_semaphore, #tpu.memory_space<semaphore_mem>>
      %dma_start3A = arith.constant 0 : i32
      %dma_start3A_88 = tpu.memref_slice %arg6[%add3A_87, %dma_start3A] : memref<20480x128xf32, #tpu.memory_space<hbm>> -> memref<128x128xf32, #tpu.memory_space<hbm>>
      %dma_start3A_89 = arith.constant 0 : i32
      %dma_start3A_90 = tpu.memref_slice %arg6[%add3A_87, %dma_start3A_89] : memref<20480x128xf32, #tpu.memory_space<hbm>> -> memref<128x128xf32, #tpu.memory_space<hbm>>
      tpu.enqueue_dma source(%arg9 : memref<128x128xf32, #tpu.memory_space<vmem>>) target(%dma_start3A_90 : memref<128x128xf32, #tpu.memory_space<hbm>>) target_semaphore(%run_scoped3A : memref<!tpu.dma_semaphore, #tpu.memory_space<semaphore_mem>>)
      %dma_wait3A = arith.constant 0 : i32
      %dma_wait3A_91 = tpu.memref_slice %arg6[%add3A_87, %dma_wait3A] : memref<20480x128xf32, #tpu.memory_space<hbm>> -> memref<128x128xf32, #tpu.memory_space<hbm>>
      %dma_wait3A_92 = arith.constant 0 : i32
      %dma_wait3A_93 = tpu.memref_slice %arg6[%add3A_87, %dma_wait3A_92] : memref<20480x128xf32, #tpu.memory_space<hbm>> -> memref<128x128xf32, #tpu.memory_space<hbm>>
      tpu.wait_dma2 semaphore(%run_scoped3A : memref<!tpu.dma_semaphore, #tpu.memory_space<semaphore_mem>>) src(%arg9 : memref<128x128xf32, #tpu.memory_space<vmem>>) dst(%dma_wait3A_93 : memref<128x128xf32, #tpu.memory_space<hbm>>)
      tpu.yield
    }) : () -> ()
    return
  }
}

#map = affine_map<(d0, d1) -> (0, 0, 0)>
#map1 = affine_map<(d0, d1) -> (0, 0)>
module attributes {stable_mosaic.version = 14 : i64} {
  func.func @_prop_kernel(%arg0: i32, %arg1: i32, %arg2: memref<32x120x128xi32, #tpu.memory_space<hbm>>, %arg3: memref<32x120x128xi32, #tpu.memory_space<hbm>>, %arg4: memref<10240x128xf32, #tpu.memory_space<hbm>>, %arg5: memref<128x128xf32, #tpu.memory_space<hbm>>, %arg6: memref<20480x128xf32, #tpu.memory_space<hbm>>, %arg7: memref<120x128xi32, #tpu.memory_space<vmem>>, %arg8: memref<120x128xi32, #tpu.memory_space<vmem>>, %arg9: memref<128x128xf32, #tpu.memory_space<vmem>>, %arg10: memref<!tpu.dma_semaphore, #tpu.memory_space<semaphore_mem>>, %arg11: memref<10240x128xf32, #tpu.memory_space<vmem_shared>>) attributes {dimension_semantics = [#tpu.dimension_semantics<core_parallel>, #tpu.dimension_semantics<subcore_parallel>], iteration_bounds = array<i64: 2, 16>, scalar_prefetch = 0 : i64, scratch_operands = 5 : i64, tpu.core_type = #tpu.core_type<sc_vector_subcore>, window_params = [{transform_indices = #map}, {transform_indices = #map}, {transform_indices = #map1}, {transform_indices = #map1}, {transform_indices = #map1}]} {
    %mul3A = arith.constant 16 : i32
    %mul3A_0 = arith.muli %arg0, %mul3A : i32
    %add3A = arith.addi %mul3A_0, %arg1 : i32
    "tpu.region"() ({
      %run_scoped3A = tpu.sem_alloc : memref<!tpu.dma_semaphore, #tpu.memory_space<semaphore_mem>>
      %dma_start3A = arith.constant 0 : i32
      %dma_start3A_88 = arith.constant 0 : i32
      %dma_start3A_89 = tpu.memref_slice %arg2[%add3A, %dma_start3A, %dma_start3A_88] : memref<32x120x128xi32, #tpu.memory_space<hbm>> -> memref<1x120x128xi32, #tpu.memory_space<hbm>>
      %dma_start3A_90 = tpu.memref_squeeze %dma_start3A_89 : memref<1x120x128xi32, #tpu.memory_space<hbm>> -> memref<120x128xi32, #tpu.memory_space<hbm>>
      %dma_start3A_91 = arith.constant 0 : i32
      %dma_start3A_92 = arith.constant 0 : i32
      %dma_start3A_93 = tpu.memref_slice %arg2[%add3A, %dma_start3A_91, %dma_start3A_92] : memref<32x120x128xi32, #tpu.memory_space<hbm>> -> memref<1x120x128xi32, #tpu.memory_space<hbm>>
      %dma_start3A_94 = tpu.memref_squeeze %dma_start3A_93 : memref<1x120x128xi32, #tpu.memory_space<hbm>> -> memref<120x128xi32, #tpu.memory_space<hbm>>
      tpu.enqueue_dma source(%dma_start3A_94 : memref<120x128xi32, #tpu.memory_space<hbm>>) target(%arg7 : memref<120x128xi32, #tpu.memory_space<vmem>>) target_semaphore(%run_scoped3A : memref<!tpu.dma_semaphore, #tpu.memory_space<semaphore_mem>>)
      %dma_wait3A = arith.constant 0 : i32
      %dma_wait3A_95 = arith.constant 0 : i32
      %dma_wait3A_96 = tpu.memref_slice %arg2[%add3A, %dma_wait3A, %dma_wait3A_95] : memref<32x120x128xi32, #tpu.memory_space<hbm>> -> memref<1x120x128xi32, #tpu.memory_space<hbm>>
      %dma_wait3A_97 = tpu.memref_squeeze %dma_wait3A_96 : memref<1x120x128xi32, #tpu.memory_space<hbm>> -> memref<120x128xi32, #tpu.memory_space<hbm>>
      %dma_wait3A_98 = arith.constant 0 : i32
      %dma_wait3A_99 = arith.constant 0 : i32
      %dma_wait3A_100 = tpu.memref_slice %arg2[%add3A, %dma_wait3A_98, %dma_wait3A_99] : memref<32x120x128xi32, #tpu.memory_space<hbm>> -> memref<1x120x128xi32, #tpu.memory_space<hbm>>
      %dma_wait3A_101 = tpu.memref_squeeze %dma_wait3A_100 : memref<1x120x128xi32, #tpu.memory_space<hbm>> -> memref<120x128xi32, #tpu.memory_space<hbm>>
      tpu.wait_dma2 semaphore(%run_scoped3A : memref<!tpu.dma_semaphore, #tpu.memory_space<semaphore_mem>>) src(%dma_wait3A_101 : memref<120x128xi32, #tpu.memory_space<hbm>>) dst(%arg7 : memref<120x128xi32, #tpu.memory_space<vmem>>)
      tpu.yield
    }) : () -> ()
    "tpu.region"() ({
      %run_scoped3A = tpu.sem_alloc : memref<!tpu.dma_semaphore, #tpu.memory_space<semaphore_mem>>
      %dma_start3A = arith.constant 0 : i32
      %dma_start3A_88 = arith.constant 0 : i32
      %dma_start3A_89 = tpu.memref_slice %arg3[%add3A, %dma_start3A, %dma_start3A_88] : memref<32x120x128xi32, #tpu.memory_space<hbm>> -> memref<1x120x128xi32, #tpu.memory_space<hbm>>
      %dma_start3A_90 = tpu.memref_squeeze %dma_start3A_89 : memref<1x120x128xi32, #tpu.memory_space<hbm>> -> memref<120x128xi32, #tpu.memory_space<hbm>>
      %dma_start3A_91 = arith.constant 0 : i32
      %dma_start3A_92 = arith.constant 0 : i32
      %dma_start3A_93 = tpu.memref_slice %arg3[%add3A, %dma_start3A_91, %dma_start3A_92] : memref<32x120x128xi32, #tpu.memory_space<hbm>> -> memref<1x120x128xi32, #tpu.memory_space<hbm>>
      %dma_start3A_94 = tpu.memref_squeeze %dma_start3A_93 : memref<1x120x128xi32, #tpu.memory_space<hbm>> -> memref<120x128xi32, #tpu.memory_space<hbm>>
      tpu.enqueue_dma source(%dma_start3A_94 : memref<120x128xi32, #tpu.memory_space<hbm>>) target(%arg8 : memref<120x128xi32, #tpu.memory_space<vmem>>) target_semaphore(%run_scoped3A : memref<!tpu.dma_semaphore, #tpu.memory_space<semaphore_mem>>)
      %dma_wait3A = arith.constant 0 : i32
      %dma_wait3A_95 = arith.constant 0 : i32
      %dma_wait3A_96 = tpu.memref_slice %arg3[%add3A, %dma_wait3A, %dma_wait3A_95] : memref<32x120x128xi32, #tpu.memory_space<hbm>> -> memref<1x120x128xi32, #tpu.memory_space<hbm>>
      %dma_wait3A_97 = tpu.memref_squeeze %dma_wait3A_96 : memref<1x120x128xi32, #tpu.memory_space<hbm>> -> memref<120x128xi32, #tpu.memory_space<hbm>>
      %dma_wait3A_98 = arith.constant 0 : i32
      %dma_wait3A_99 = arith.constant 0 : i32
      %dma_wait3A_100 = tpu.memref_slice %arg3[%add3A, %dma_wait3A_98, %dma_wait3A_99] : memref<32x120x128xi32, #tpu.memory_space<hbm>> -> memref<1x120x128xi32, #tpu.memory_space<hbm>>
      %dma_wait3A_101 = tpu.memref_squeeze %dma_wait3A_100 : memref<1x120x128xi32, #tpu.memory_space<hbm>> -> memref<120x128xi32, #tpu.memory_space<hbm>>
      tpu.wait_dma2 semaphore(%run_scoped3A : memref<!tpu.dma_semaphore, #tpu.memory_space<semaphore_mem>>) src(%dma_wait3A_101 : memref<120x128xi32, #tpu.memory_space<hbm>>) dst(%arg8 : memref<120x128xi32, #tpu.memory_space<vmem>>)
      tpu.yield
    }) : () -> ()
    "tpu.region"() ({
      %run_scoped3A = tpu.sem_alloc : memref<!tpu.dma_semaphore, #tpu.memory_space<semaphore_mem>>
      tpu.enqueue_dma source(%arg5 : memref<128x128xf32, #tpu.memory_space<hbm>>) target(%arg9 : memref<128x128xf32, #tpu.memory_space<vmem>>) target_semaphore(%run_scoped3A : memref<!tpu.dma_semaphore, #tpu.memory_space<semaphore_mem>>)
      tpu.wait_dma2 semaphore(%run_scoped3A : memref<!tpu.dma_semaphore, #tpu.memory_space<semaphore_mem>>) src(%arg5 : memref<128x128xf32, #tpu.memory_space<hbm>>) dst(%arg9 : memref<128x128xf32, #tpu.memory_space<vmem>>)
      tpu.yield
    }) : () -> ()
    %mul3A_1 = arith.constant 640 : i32
    %mul3A_2 = arith.muli %arg1, %mul3A_1 : i32
    %add3A_3 = arith.constant 0 : i32
    %add3A_4 = arith.addi %mul3A_2, %add3A_3 : i32
    "tpu.region"() ({
      %run_scoped3A = tpu.sem_alloc : memref<!tpu.dma_semaphore, #tpu.memory_space<semaphore_mem>>
      %dma_start3A = arith.constant 0 : i32
      %dma_start3A_88 = tpu.memref_slice %arg11[%add3A_4, %dma_start3A] : memref<10240x128xf32, #tpu.memory_space<vmem_shared>> -> memref<128x128xf32, #tpu.memory_space<vmem_shared>>
      %dma_start3A_89 = arith.constant 0 : i32
      %dma_start3A_90 = tpu.memref_slice %arg11[%add3A_4, %dma_start3A_89] : memref<10240x128xf32, #tpu.memory_space<vmem_shared>> -> memref<128x128xf32, #tpu.memory_space<vmem_shared>>
      tpu.enqueue_dma source(%arg9 : memref<128x128xf32, #tpu.memory_space<vmem>>) target(%dma_start3A_90 : memref<128x128xf32, #tpu.memory_space<vmem_shared>>) target_semaphore(%run_scoped3A : memref<!tpu.dma_semaphore, #tpu.memory_space<semaphore_mem>>)
      %dma_wait3A = arith.constant 0 : i32
      %dma_wait3A_91 = tpu.memref_slice %arg11[%add3A_4, %dma_wait3A] : memref<10240x128xf32, #tpu.memory_space<vmem_shared>> -> memref<128x128xf32, #tpu.memory_space<vmem_shared>>
      %dma_wait3A_92 = arith.constant 0 : i32
      %dma_wait3A_93 = tpu.memref_slice %arg11[%add3A_4, %dma_wait3A_92] : memref<10240x128xf32, #tpu.memory_space<vmem_shared>> -> memref<128x128xf32, #tpu.memory_space<vmem_shared>>
      tpu.wait_dma2 semaphore(%run_scoped3A : memref<!tpu.dma_semaphore, #tpu.memory_space<semaphore_mem>>) src(%arg9 : memref<128x128xf32, #tpu.memory_space<vmem>>) dst(%dma_wait3A_93 : memref<128x128xf32, #tpu.memory_space<vmem_shared>>)
      tpu.yield
    }) : () -> ()
    %mul3A_5 = arith.constant 640 : i32
    %mul3A_6 = arith.muli %arg1, %mul3A_5 : i32
    %add3A_7 = arith.constant 128 : i32
    %add3A_8 = arith.addi %mul3A_6, %add3A_7 : i32
    "tpu.region"() ({
      %run_scoped3A = tpu.sem_alloc : memref<!tpu.dma_semaphore, #tpu.memory_space<semaphore_mem>>
      %dma_start3A = arith.constant 0 : i32
      %dma_start3A_88 = tpu.memref_slice %arg11[%add3A_8, %dma_start3A] : memref<10240x128xf32, #tpu.memory_space<vmem_shared>> -> memref<128x128xf32, #tpu.memory_space<vmem_shared>>
      %dma_start3A_89 = arith.constant 0 : i32
      %dma_start3A_90 = tpu.memref_slice %arg11[%add3A_8, %dma_start3A_89] : memref<10240x128xf32, #tpu.memory_space<vmem_shared>> -> memref<128x128xf32, #tpu.memory_space<vmem_shared>>
      tpu.enqueue_dma source(%arg9 : memref<128x128xf32, #tpu.memory_space<vmem>>) target(%dma_start3A_90 : memref<128x128xf32, #tpu.memory_space<vmem_shared>>) target_semaphore(%run_scoped3A : memref<!tpu.dma_semaphore, #tpu.memory_space<semaphore_mem>>)
      %dma_wait3A = arith.constant 0 : i32
      %dma_wait3A_91 = tpu.memref_slice %arg11[%add3A_8, %dma_wait3A] : memref<10240x128xf32, #tpu.memory_space<vmem_shared>> -> memref<128x128xf32, #tpu.memory_space<vmem_shared>>
      %dma_wait3A_92 = arith.constant 0 : i32
      %dma_wait3A_93 = tpu.memref_slice %arg11[%add3A_8, %dma_wait3A_92] : memref<10240x128xf32, #tpu.memory_space<vmem_shared>> -> memref<128x128xf32, #tpu.memory_space<vmem_shared>>
      tpu.wait_dma2 semaphore(%run_scoped3A : memref<!tpu.dma_semaphore, #tpu.memory_space<semaphore_mem>>) src(%arg9 : memref<128x128xf32, #tpu.memory_space<vmem>>) dst(%dma_wait3A_93 : memref<128x128xf32, #tpu.memory_space<vmem_shared>>)
      tpu.yield
    }) : () -> ()
    %mul3A_9 = arith.constant 640 : i32
    %mul3A_10 = arith.muli %arg1, %mul3A_9 : i32
    %add3A_11 = arith.constant 256 : i32
    %add3A_12 = arith.addi %mul3A_10, %add3A_11 : i32
    "tpu.region"() ({
      %run_scoped3A = tpu.sem_alloc : memref<!tpu.dma_semaphore, #tpu.memory_space<semaphore_mem>>
      %dma_start3A = arith.constant 0 : i32
      %dma_start3A_88 = tpu.memref_slice %arg11[%add3A_12, %dma_start3A] : memref<10240x128xf32, #tpu.memory_space<vmem_shared>> -> memref<128x128xf32, #tpu.memory_space<vmem_shared>>
      %dma_start3A_89 = arith.constant 0 : i32
      %dma_start3A_90 = tpu.memref_slice %arg11[%add3A_12, %dma_start3A_89] : memref<10240x128xf32, #tpu.memory_space<vmem_shared>> -> memref<128x128xf32, #tpu.memory_space<vmem_shared>>
      tpu.enqueue_dma source(%arg9 : memref<128x128xf32, #tpu.memory_space<vmem>>) target(%dma_start3A_90 : memref<128x128xf32, #tpu.memory_space<vmem_shared>>) target_semaphore(%run_scoped3A : memref<!tpu.dma_semaphore, #tpu.memory_space<semaphore_mem>>)
      %dma_wait3A = arith.constant 0 : i32
      %dma_wait3A_91 = tpu.memref_slice %arg11[%add3A_12, %dma_wait3A] : memref<10240x128xf32, #tpu.memory_space<vmem_shared>> -> memref<128x128xf32, #tpu.memory_space<vmem_shared>>
      %dma_wait3A_92 = arith.constant 0 : i32
      %dma_wait3A_93 = tpu.memref_slice %arg11[%add3A_12, %dma_wait3A_92] : memref<10240x128xf32, #tpu.memory_space<vmem_shared>> -> memref<128x128xf32, #tpu.memory_space<vmem_shared>>
      tpu.wait_dma2 semaphore(%run_scoped3A : memref<!tpu.dma_semaphore, #tpu.memory_space<semaphore_mem>>) src(%arg9 : memref<128x128xf32, #tpu.memory_space<vmem>>) dst(%dma_wait3A_93 : memref<128x128xf32, #tpu.memory_space<vmem_shared>>)
      tpu.yield
    }) : () -> ()
    %mul3A_13 = arith.constant 640 : i32
    %mul3A_14 = arith.muli %arg1, %mul3A_13 : i32
    %add3A_15 = arith.constant 384 : i32
    %add3A_16 = arith.addi %mul3A_14, %add3A_15 : i32
    "tpu.region"() ({
      %run_scoped3A = tpu.sem_alloc : memref<!tpu.dma_semaphore, #tpu.memory_space<semaphore_mem>>
      %dma_start3A = arith.constant 0 : i32
      %dma_start3A_88 = tpu.memref_slice %arg11[%add3A_16, %dma_start3A] : memref<10240x128xf32, #tpu.memory_space<vmem_shared>> -> memref<128x128xf32, #tpu.memory_space<vmem_shared>>
      %dma_start3A_89 = arith.constant 0 : i32
      %dma_start3A_90 = tpu.memref_slice %arg11[%add3A_16, %dma_start3A_89] : memref<10240x128xf32, #tpu.memory_space<vmem_shared>> -> memref<128x128xf32, #tpu.memory_space<vmem_shared>>
      tpu.enqueue_dma source(%arg9 : memref<128x128xf32, #tpu.memory_space<vmem>>) target(%dma_start3A_90 : memref<128x128xf32, #tpu.memory_space<vmem_shared>>) target_semaphore(%run_scoped3A : memref<!tpu.dma_semaphore, #tpu.memory_space<semaphore_mem>>)
      %dma_wait3A = arith.constant 0 : i32
      %dma_wait3A_91 = tpu.memref_slice %arg11[%add3A_16, %dma_wait3A] : memref<10240x128xf32, #tpu.memory_space<vmem_shared>> -> memref<128x128xf32, #tpu.memory_space<vmem_shared>>
      %dma_wait3A_92 = arith.constant 0 : i32
      %dma_wait3A_93 = tpu.memref_slice %arg11[%add3A_16, %dma_wait3A_92] : memref<10240x128xf32, #tpu.memory_space<vmem_shared>> -> memref<128x128xf32, #tpu.memory_space<vmem_shared>>
      tpu.wait_dma2 semaphore(%run_scoped3A : memref<!tpu.dma_semaphore, #tpu.memory_space<semaphore_mem>>) src(%arg9 : memref<128x128xf32, #tpu.memory_space<vmem>>) dst(%dma_wait3A_93 : memref<128x128xf32, #tpu.memory_space<vmem_shared>>)
      tpu.yield
    }) : () -> ()
    %mul3A_17 = arith.constant 640 : i32
    %mul3A_18 = arith.muli %arg1, %mul3A_17 : i32
    %add3A_19 = arith.constant 512 : i32
    %add3A_20 = arith.addi %mul3A_18, %add3A_19 : i32
    "tpu.region"() ({
      %run_scoped3A = tpu.sem_alloc : memref<!tpu.dma_semaphore, #tpu.memory_space<semaphore_mem>>
      %dma_start3A = arith.constant 0 : i32
      %dma_start3A_88 = tpu.memref_slice %arg11[%add3A_20, %dma_start3A] : memref<10240x128xf32, #tpu.memory_space<vmem_shared>> -> memref<128x128xf32, #tpu.memory_space<vmem_shared>>
      %dma_start3A_89 = arith.constant 0 : i32
      %dma_start3A_90 = tpu.memref_slice %arg11[%add3A_20, %dma_start3A_89] : memref<10240x128xf32, #tpu.memory_space<vmem_shared>> -> memref<128x128xf32, #tpu.memory_space<vmem_shared>>
      tpu.enqueue_dma source(%arg9 : memref<128x128xf32, #tpu.memory_space<vmem>>) target(%dma_start3A_90 : memref<128x128xf32, #tpu.memory_space<vmem_shared>>) target_semaphore(%run_scoped3A : memref<!tpu.dma_semaphore, #tpu.memory_space<semaphore_mem>>)
      %dma_wait3A = arith.constant 0 : i32
      %dma_wait3A_91 = tpu.memref_slice %arg11[%add3A_20, %dma_wait3A] : memref<10240x128xf32, #tpu.memory_space<vmem_shared>> -> memref<128x128xf32, #tpu.memory_space<vmem_shared>>
      %dma_wait3A_92 = arith.constant 0 : i32
      %dma_wait3A_93 = tpu.memref_slice %arg11[%add3A_20, %dma_wait3A_92] : memref<10240x128xf32, #tpu.memory_space<vmem_shared>> -> memref<128x128xf32, #tpu.memory_space<vmem_shared>>
      tpu.wait_dma2 semaphore(%run_scoped3A : memref<!tpu.dma_semaphore, #tpu.memory_space<semaphore_mem>>) src(%arg9 : memref<128x128xf32, #tpu.memory_space<vmem>>) dst(%dma_wait3A_93 : memref<128x128xf32, #tpu.memory_space<vmem_shared>>)
      tpu.yield
    }) : () -> ()
    %barrier3A = arith.constant 0 : index
    tpu.barrier barrier_id(%barrier3A)
    %eq3A = arith.constant 0 : i32
    %eq3A_21 = arith.cmpi eq, %arg0, %eq3A : i32
    %jit3A = arith.constant 120 : i32
    %jit3A_22 = arith.constant 40 : i32
    %select_n3A = arith.select %eq3A_21, %jit3A, %jit3A_22 : i32
    %while3A = arith.constant 0 : i32
    %while3A_23 = arith.constant 0 : i32
    %while3A_24 = arith.subi %select_n3A, %while3A_23 : i32
    %while3A_25 = arith.addi %while3A_23, %while3A_24 : i32
    %while3A_26 = arith.constant 1 : i32
    %while3A_27 = arith.divsi %while3A_24, %while3A_26 : i32
    %while3A_28 = arith.muli %while3A_27, %while3A_26 : i32
    %while3A_29 = arith.addi %while3A_23, %while3A_28 : i32
    %while3A_30 = arith.constant 1 : i32
    scf.for %while3A_88 = %while3A_23 to %while3A_29 step %while3A_30  : i32 {
      %dma_start3A = arith.constant 0 : i32
      %dma_start3A_89 = tpu.memref_slice %arg7[%while3A_88, %dma_start3A] : memref<120x128xi32, #tpu.memory_space<vmem>> -> memref<1x128xi32, #tpu.memory_space<vmem>>
      %dma_start3A_90 = tpu.memref_squeeze %dma_start3A_89 : memref<1x128xi32, #tpu.memory_space<vmem>> -> memref<128xi32, #tpu.memory_space<vmem>>
      %dma_start3A_91 = arith.constant 0 : i32
      %dma_start3A_92 = arith.constant 0 : i32
      %dma_start3A_93 = tpu.memref_slice %arg4[%dma_start3A_91, %dma_start3A_92] : memref<10240x128xf32, #tpu.memory_space<hbm>> -> memref<10240x128xf32, #tpu.memory_space<hbm>>
      tpu.enqueue_indirect_dma source(%dma_start3A_93 : memref<10240x128xf32, #tpu.memory_space<hbm>>) target(%arg9 : memref<128x128xf32, #tpu.memory_space<vmem>>) offsets(%dma_start3A_90 : memref<128xi32, #tpu.memory_space<vmem>>) semaphore(%arg10 : memref<!tpu.dma_semaphore, #tpu.memory_space<semaphore_mem>>)
      %dma_wait3A = arith.constant 0 : i32
      %dma_wait3A_94 = tpu.memref_slice %arg7[%while3A_88, %dma_wait3A] : memref<120x128xi32, #tpu.memory_space<vmem>> -> memref<1x128xi32, #tpu.memory_space<vmem>>
      %dma_wait3A_95 = tpu.memref_squeeze %dma_wait3A_94 : memref<1x128xi32, #tpu.memory_space<vmem>> -> memref<128xi32, #tpu.memory_space<vmem>>
      %dma_wait3A_96 = arith.constant 0 : i32
      %dma_wait3A_97 = arith.constant 0 : i32
      %dma_wait3A_98 = tpu.memref_slice %arg4[%dma_wait3A_96, %dma_wait3A_97] : memref<10240x128xf32, #tpu.memory_space<hbm>> -> memref<10240x128xf32, #tpu.memory_space<hbm>>
      tpu.wait_indirect_dma semaphore(%arg10 : memref<!tpu.dma_semaphore, #tpu.memory_space<semaphore_mem>>) src(%dma_wait3A_98 : memref<10240x128xf32, #tpu.memory_space<hbm>>) dst(%arg9 : memref<128x128xf32, #tpu.memory_space<vmem>>)
      "tpu.region"() ({
        %run_scoped3A = tpu.sem_alloc : memref<!tpu.dma_semaphore, #tpu.memory_space<semaphore_mem>>
        %dma_start3A_99 = arith.constant 0 : i32
        %dma_start3A_100 = tpu.memref_slice %arg8[%while3A_88, %dma_start3A_99] : memref<120x128xi32, #tpu.memory_space<vmem>> -> memref<1x128xi32, #tpu.memory_space<vmem>>
        %dma_start3A_101 = tpu.memref_squeeze %dma_start3A_100 : memref<1x128xi32, #tpu.memory_space<vmem>> -> memref<128xi32, #tpu.memory_space<vmem>>
        %dma_start3A_102 = arith.constant 0 : i32
        %dma_start3A_103 = arith.constant 0 : i32
        %dma_start3A_104 = tpu.memref_slice %arg11[%dma_start3A_102, %dma_start3A_103] : memref<10240x128xf32, #tpu.memory_space<vmem_shared>> -> memref<10240x128xf32, #tpu.memory_space<vmem_shared>>
        tpu.enqueue_indirect_dma source(%arg9 : memref<128x128xf32, #tpu.memory_space<vmem>>) target(%dma_start3A_104 : memref<10240x128xf32, #tpu.memory_space<vmem_shared>>) offsets(%dma_start3A_101 : memref<128xi32, #tpu.memory_space<vmem>>) semaphore(%run_scoped3A : memref<!tpu.dma_semaphore, #tpu.memory_space<semaphore_mem>>) {add = true}
        %dma_wait3A_105 = arith.constant 0 : i32
        %dma_wait3A_106 = tpu.memref_slice %arg8[%while3A_88, %dma_wait3A_105] : memref<120x128xi32, #tpu.memory_space<vmem>> -> memref<1x128xi32, #tpu.memory_space<vmem>>
        %dma_wait3A_107 = tpu.memref_squeeze %dma_wait3A_106 : memref<1x128xi32, #tpu.memory_space<vmem>> -> memref<128xi32, #tpu.memory_space<vmem>>
        %dma_wait3A_108 = arith.constant 0 : i32
        %dma_wait3A_109 = arith.constant 0 : i32
        %dma_wait3A_110 = tpu.memref_slice %arg11[%dma_wait3A_108, %dma_wait3A_109] : memref<10240x128xf32, #tpu.memory_space<vmem_shared>> -> memref<10240x128xf32, #tpu.memory_space<vmem_shared>>
        tpu.wait_indirect_dma semaphore(%run_scoped3A : memref<!tpu.dma_semaphore, #tpu.memory_space<semaphore_mem>>) src(%arg9 : memref<128x128xf32, #tpu.memory_space<vmem>>) dst(%dma_wait3A_110 : memref<10240x128xf32, #tpu.memory_space<vmem_shared>>)
        tpu.yield
      }) : () -> ()
    }
    %while3A_31 = arith.constant 1 : i32
    scf.for %while3A_88 = %while3A_29 to %while3A_25 step %while3A_31  : i32 {
      %dma_start3A = arith.constant 0 : i32
      %dma_start3A_89 = tpu.memref_slice %arg7[%while3A_88, %dma_start3A] : memref<120x128xi32, #tpu.memory_space<vmem>> -> memref<1x128xi32, #tpu.memory_space<vmem>>
      %dma_start3A_90 = tpu.memref_squeeze %dma_start3A_89 : memref<1x128xi32, #tpu.memory_space<vmem>> -> memref<128xi32, #tpu.memory_space<vmem>>
      %dma_start3A_91 = arith.constant 0 : i32
      %dma_start3A_92 = arith.constant 0 : i32
      %dma_start3A_93 = tpu.memref_slice %arg4[%dma_start3A_91, %dma_start3A_92] : memref<10240x128xf32, #tpu.memory_space<hbm>> -> memref<10240x128xf32, #tpu.memory_space<hbm>>
      tpu.enqueue_indirect_dma source(%dma_start3A_93 : memref<10240x128xf32, #tpu.memory_space<hbm>>) target(%arg9 : memref<128x128xf32, #tpu.memory_space<vmem>>) offsets(%dma_start3A_90 : memref<128xi32, #tpu.memory_space<vmem>>) semaphore(%arg10 : memref<!tpu.dma_semaphore, #tpu.memory_space<semaphore_mem>>)
      %dma_wait3A = arith.constant 0 : i32
      %dma_wait3A_94 = tpu.memref_slice %arg7[%while3A_88, %dma_wait3A] : memref<120x128xi32, #tpu.memory_space<vmem>> -> memref<1x128xi32, #tpu.memory_space<vmem>>
      %dma_wait3A_95 = tpu.memref_squeeze %dma_wait3A_94 : memref<1x128xi32, #tpu.memory_space<vmem>> -> memref<128xi32, #tpu.memory_space<vmem>>
      %dma_wait3A_96 = arith.constant 0 : i32
      %dma_wait3A_97 = arith.constant 0 : i32
      %dma_wait3A_98 = tpu.memref_slice %arg4[%dma_wait3A_96, %dma_wait3A_97] : memref<10240x128xf32, #tpu.memory_space<hbm>> -> memref<10240x128xf32, #tpu.memory_space<hbm>>
      tpu.wait_indirect_dma semaphore(%arg10 : memref<!tpu.dma_semaphore, #tpu.memory_space<semaphore_mem>>) src(%dma_wait3A_98 : memref<10240x128xf32, #tpu.memory_space<hbm>>) dst(%arg9 : memref<128x128xf32, #tpu.memory_space<vmem>>)
      "tpu.region"() ({
        %run_scoped3A = tpu.sem_alloc : memref<!tpu.dma_semaphore, #tpu.memory_space<semaphore_mem>>
        %dma_start3A_99 = arith.constant 0 : i32
        %dma_start3A_100 = tpu.memref_slice %arg8[%while3A_88, %dma_start3A_99] : memref<120x128xi32, #tpu.memory_space<vmem>> -> memref<1x128xi32, #tpu.memory_space<vmem>>
        %dma_start3A_101 = tpu.memref_squeeze %dma_start3A_100 : memref<1x128xi32, #tpu.memory_space<vmem>> -> memref<128xi32, #tpu.memory_space<vmem>>
        %dma_start3A_102 = arith.constant 0 : i32
        %dma_start3A_103 = arith.constant 0 : i32
        %dma_start3A_104 = tpu.memref_slice %arg11[%dma_start3A_102, %dma_start3A_103] : memref<10240x128xf32, #tpu.memory_space<vmem_shared>> -> memref<10240x128xf32, #tpu.memory_space<vmem_shared>>
        tpu.enqueue_indirect_dma source(%arg9 : memref<128x128xf32, #tpu.memory_space<vmem>>) target(%dma_start3A_104 : memref<10240x128xf32, #tpu.memory_space<vmem_shared>>) offsets(%dma_start3A_101 : memref<128xi32, #tpu.memory_space<vmem>>) semaphore(%run_scoped3A : memref<!tpu.dma_semaphore, #tpu.memory_space<semaphore_mem>>) {add = true}
        %dma_wait3A_105 = arith.constant 0 : i32
        %dma_wait3A_106 = tpu.memref_slice %arg8[%while3A_88, %dma_wait3A_105] : memref<120x128xi32, #tpu.memory_space<vmem>> -> memref<1x128xi32, #tpu.memory_space<vmem>>
        %dma_wait3A_107 = tpu.memref_squeeze %dma_wait3A_106 : memref<1x128xi32, #tpu.memory_space<vmem>> -> memref<128xi32, #tpu.memory_space<vmem>>
        %dma_wait3A_108 = arith.constant 0 : i32
        %dma_wait3A_109 = arith.constant 0 : i32
        %dma_wait3A_110 = tpu.memref_slice %arg11[%dma_wait3A_108, %dma_wait3A_109] : memref<10240x128xf32, #tpu.memory_space<vmem_shared>> -> memref<10240x128xf32, #tpu.memory_space<vmem_shared>>
        tpu.wait_indirect_dma semaphore(%run_scoped3A : memref<!tpu.dma_semaphore, #tpu.memory_space<semaphore_mem>>) src(%arg9 : memref<128x128xf32, #tpu.memory_space<vmem>>) dst(%dma_wait3A_110 : memref<10240x128xf32, #tpu.memory_space<vmem_shared>>)
        tpu.yield
      }) : () -> ()
    }
    %barrier3A_32 = arith.constant 0 : index
    tpu.barrier barrier_id(%barrier3A_32)
    %mul3A_33 = arith.constant 640 : i32
    %mul3A_34 = arith.muli %arg1, %mul3A_33 : i32
    %add3A_35 = arith.constant 0 : i32
    %add3A_36 = arith.addi %mul3A_34, %add3A_35 : i32
    "tpu.region"() ({
      %run_scoped3A = tpu.sem_alloc : memref<!tpu.dma_semaphore, #tpu.memory_space<semaphore_mem>>
      %dma_start3A = arith.constant 0 : i32
      %dma_start3A_88 = tpu.memref_slice %arg11[%add3A_36, %dma_start3A] : memref<10240x128xf32, #tpu.memory_space<vmem_shared>> -> memref<128x128xf32, #tpu.memory_space<vmem_shared>>
      %dma_start3A_89 = arith.constant 0 : i32
      %dma_start3A_90 = tpu.memref_slice %arg11[%add3A_36, %dma_start3A_89] : memref<10240x128xf32, #tpu.memory_space<vmem_shared>> -> memref<128x128xf32, #tpu.memory_space<vmem_shared>>
      tpu.enqueue_dma source(%dma_start3A_90 : memref<128x128xf32, #tpu.memory_space<vmem_shared>>) target(%arg9 : memref<128x128xf32, #tpu.memory_space<vmem>>) target_semaphore(%run_scoped3A : memref<!tpu.dma_semaphore, #tpu.memory_space<semaphore_mem>>)
      %dma_wait3A = arith.constant 0 : i32
      %dma_wait3A_91 = tpu.memref_slice %arg11[%add3A_36, %dma_wait3A] : memref<10240x128xf32, #tpu.memory_space<vmem_shared>> -> memref<128x128xf32, #tpu.memory_space<vmem_shared>>
      %dma_wait3A_92 = arith.constant 0 : i32
      %dma_wait3A_93 = tpu.memref_slice %arg11[%add3A_36, %dma_wait3A_92] : memref<10240x128xf32, #tpu.memory_space<vmem_shared>> -> memref<128x128xf32, #tpu.memory_space<vmem_shared>>
      tpu.wait_dma2 semaphore(%run_scoped3A : memref<!tpu.dma_semaphore, #tpu.memory_space<semaphore_mem>>) src(%dma_wait3A_93 : memref<128x128xf32, #tpu.memory_space<vmem_shared>>) dst(%arg9 : memref<128x128xf32, #tpu.memory_space<vmem>>)
      tpu.yield
    }) : () -> ()
    %mul3A_37 = arith.constant 10240 : i32
    %mul3A_38 = arith.muli %arg0, %mul3A_37 : i32
    %mul3A_39 = arith.constant 640 : i32
    %mul3A_40 = arith.muli %arg1, %mul3A_39 : i32
    %add3A_41 = arith.addi %mul3A_38, %mul3A_40 : i32
    %add3A_42 = arith.constant 0 : i32
    %add3A_43 = arith.addi %add3A_41, %add3A_42 : i32
    "tpu.region"() ({
      %run_scoped3A = tpu.sem_alloc : memref<!tpu.dma_semaphore, #tpu.memory_space<semaphore_mem>>
      %dma_start3A = arith.constant 0 : i32
      %dma_start3A_88 = tpu.memref_slice %arg6[%add3A_43, %dma_start3A] : memref<20480x128xf32, #tpu.memory_space<hbm>> -> memref<128x128xf32, #tpu.memory_space<hbm>>
      %dma_start3A_89 = arith.constant 0 : i32
      %dma_start3A_90 = tpu.memref_slice %arg6[%add3A_43, %dma_start3A_89] : memref<20480x128xf32, #tpu.memory_space<hbm>> -> memref<128x128xf32, #tpu.memory_space<hbm>>
      tpu.enqueue_dma source(%arg9 : memref<128x128xf32, #tpu.memory_space<vmem>>) target(%dma_start3A_90 : memref<128x128xf32, #tpu.memory_space<hbm>>) target_semaphore(%run_scoped3A : memref<!tpu.dma_semaphore, #tpu.memory_space<semaphore_mem>>)
      %dma_wait3A = arith.constant 0 : i32
      %dma_wait3A_91 = tpu.memref_slice %arg6[%add3A_43, %dma_wait3A] : memref<20480x128xf32, #tpu.memory_space<hbm>> -> memref<128x128xf32, #tpu.memory_space<hbm>>
      %dma_wait3A_92 = arith.constant 0 : i32
      %dma_wait3A_93 = tpu.memref_slice %arg6[%add3A_43, %dma_wait3A_92] : memref<20480x128xf32, #tpu.memory_space<hbm>> -> memref<128x128xf32, #tpu.memory_space<hbm>>
      tpu.wait_dma2 semaphore(%run_scoped3A : memref<!tpu.dma_semaphore, #tpu.memory_space<semaphore_mem>>) src(%arg9 : memref<128x128xf32, #tpu.memory_space<vmem>>) dst(%dma_wait3A_93 : memref<128x128xf32, #tpu.memory_space<hbm>>)
      tpu.yield
    }) : () -> ()
    %mul3A_44 = arith.constant 640 : i32
    %mul3A_45 = arith.muli %arg1, %mul3A_44 : i32
    %add3A_46 = arith.constant 128 : i32
    %add3A_47 = arith.addi %mul3A_45, %add3A_46 : i32
    "tpu.region"() ({
      %run_scoped3A = tpu.sem_alloc : memref<!tpu.dma_semaphore, #tpu.memory_space<semaphore_mem>>
      %dma_start3A = arith.constant 0 : i32
      %dma_start3A_88 = tpu.memref_slice %arg11[%add3A_47, %dma_start3A] : memref<10240x128xf32, #tpu.memory_space<vmem_shared>> -> memref<128x128xf32, #tpu.memory_space<vmem_shared>>
      %dma_start3A_89 = arith.constant 0 : i32
      %dma_start3A_90 = tpu.memref_slice %arg11[%add3A_47, %dma_start3A_89] : memref<10240x128xf32, #tpu.memory_space<vmem_shared>> -> memref<128x128xf32, #tpu.memory_space<vmem_shared>>
      tpu.enqueue_dma source(%dma_start3A_90 : memref<128x128xf32, #tpu.memory_space<vmem_shared>>) target(%arg9 : memref<128x128xf32, #tpu.memory_space<vmem>>) target_semaphore(%run_scoped3A : memref<!tpu.dma_semaphore, #tpu.memory_space<semaphore_mem>>)
      %dma_wait3A = arith.constant 0 : i32
      %dma_wait3A_91 = tpu.memref_slice %arg11[%add3A_47, %dma_wait3A] : memref<10240x128xf32, #tpu.memory_space<vmem_shared>> -> memref<128x128xf32, #tpu.memory_space<vmem_shared>>
      %dma_wait3A_92 = arith.constant 0 : i32
      %dma_wait3A_93 = tpu.memref_slice %arg11[%add3A_47, %dma_wait3A_92] : memref<10240x128xf32, #tpu.memory_space<vmem_shared>> -> memref<128x128xf32, #tpu.memory_space<vmem_shared>>
      tpu.wait_dma2 semaphore(%run_scoped3A : memref<!tpu.dma_semaphore, #tpu.memory_space<semaphore_mem>>) src(%dma_wait3A_93 : memref<128x128xf32, #tpu.memory_space<vmem_shared>>) dst(%arg9 : memref<128x128xf32, #tpu.memory_space<vmem>>)
      tpu.yield
    }) : () -> ()
    %mul3A_48 = arith.constant 10240 : i32
    %mul3A_49 = arith.muli %arg0, %mul3A_48 : i32
    %mul3A_50 = arith.constant 640 : i32
    %mul3A_51 = arith.muli %arg1, %mul3A_50 : i32
    %add3A_52 = arith.addi %mul3A_49, %mul3A_51 : i32
    %add3A_53 = arith.constant 128 : i32
    %add3A_54 = arith.addi %add3A_52, %add3A_53 : i32
    "tpu.region"() ({
      %run_scoped3A = tpu.sem_alloc : memref<!tpu.dma_semaphore, #tpu.memory_space<semaphore_mem>>
      %dma_start3A = arith.constant 0 : i32
      %dma_start3A_88 = tpu.memref_slice %arg6[%add3A_54, %dma_start3A] : memref<20480x128xf32, #tpu.memory_space<hbm>> -> memref<128x128xf32, #tpu.memory_space<hbm>>
      %dma_start3A_89 = arith.constant 0 : i32
      %dma_start3A_90 = tpu.memref_slice %arg6[%add3A_54, %dma_start3A_89] : memref<20480x128xf32, #tpu.memory_space<hbm>> -> memref<128x128xf32, #tpu.memory_space<hbm>>
      tpu.enqueue_dma source(%arg9 : memref<128x128xf32, #tpu.memory_space<vmem>>) target(%dma_start3A_90 : memref<128x128xf32, #tpu.memory_space<hbm>>) target_semaphore(%run_scoped3A : memref<!tpu.dma_semaphore, #tpu.memory_space<semaphore_mem>>)
      %dma_wait3A = arith.constant 0 : i32
      %dma_wait3A_91 = tpu.memref_slice %arg6[%add3A_54, %dma_wait3A] : memref<20480x128xf32, #tpu.memory_space<hbm>> -> memref<128x128xf32, #tpu.memory_space<hbm>>
      %dma_wait3A_92 = arith.constant 0 : i32
      %dma_wait3A_93 = tpu.memref_slice %arg6[%add3A_54, %dma_wait3A_92] : memref<20480x128xf32, #tpu.memory_space<hbm>> -> memref<128x128xf32, #tpu.memory_space<hbm>>
      tpu.wait_dma2 semaphore(%run_scoped3A : memref<!tpu.dma_semaphore, #tpu.memory_space<semaphore_mem>>) src(%arg9 : memref<128x128xf32, #tpu.memory_space<vmem>>) dst(%dma_wait3A_93 : memref<128x128xf32, #tpu.memory_space<hbm>>)
      tpu.yield
    }) : () -> ()
    %mul3A_55 = arith.constant 640 : i32
    %mul3A_56 = arith.muli %arg1, %mul3A_55 : i32
    %add3A_57 = arith.constant 256 : i32
    %add3A_58 = arith.addi %mul3A_56, %add3A_57 : i32
    "tpu.region"() ({
      %run_scoped3A = tpu.sem_alloc : memref<!tpu.dma_semaphore, #tpu.memory_space<semaphore_mem>>
      %dma_start3A = arith.constant 0 : i32
      %dma_start3A_88 = tpu.memref_slice %arg11[%add3A_58, %dma_start3A] : memref<10240x128xf32, #tpu.memory_space<vmem_shared>> -> memref<128x128xf32, #tpu.memory_space<vmem_shared>>
      %dma_start3A_89 = arith.constant 0 : i32
      %dma_start3A_90 = tpu.memref_slice %arg11[%add3A_58, %dma_start3A_89] : memref<10240x128xf32, #tpu.memory_space<vmem_shared>> -> memref<128x128xf32, #tpu.memory_space<vmem_shared>>
      tpu.enqueue_dma source(%dma_start3A_90 : memref<128x128xf32, #tpu.memory_space<vmem_shared>>) target(%arg9 : memref<128x128xf32, #tpu.memory_space<vmem>>) target_semaphore(%run_scoped3A : memref<!tpu.dma_semaphore, #tpu.memory_space<semaphore_mem>>)
      %dma_wait3A = arith.constant 0 : i32
      %dma_wait3A_91 = tpu.memref_slice %arg11[%add3A_58, %dma_wait3A] : memref<10240x128xf32, #tpu.memory_space<vmem_shared>> -> memref<128x128xf32, #tpu.memory_space<vmem_shared>>
      %dma_wait3A_92 = arith.constant 0 : i32
      %dma_wait3A_93 = tpu.memref_slice %arg11[%add3A_58, %dma_wait3A_92] : memref<10240x128xf32, #tpu.memory_space<vmem_shared>> -> memref<128x128xf32, #tpu.memory_space<vmem_shared>>
      tpu.wait_dma2 semaphore(%run_scoped3A : memref<!tpu.dma_semaphore, #tpu.memory_space<semaphore_mem>>) src(%dma_wait3A_93 : memref<128x128xf32, #tpu.memory_space<vmem_shared>>) dst(%arg9 : memref<128x128xf32, #tpu.memory_space<vmem>>)
      tpu.yield
    }) : () -> ()
    %mul3A_59 = arith.constant 10240 : i32
    %mul3A_60 = arith.muli %arg0, %mul3A_59 : i32
    %mul3A_61 = arith.constant 640 : i32
    %mul3A_62 = arith.muli %arg1, %mul3A_61 : i32
    %add3A_63 = arith.addi %mul3A_60, %mul3A_62 : i32
    %add3A_64 = arith.constant 256 : i32
    %add3A_65 = arith.addi %add3A_63, %add3A_64 : i32
    "tpu.region"() ({
      %run_scoped3A = tpu.sem_alloc : memref<!tpu.dma_semaphore, #tpu.memory_space<semaphore_mem>>
      %dma_start3A = arith.constant 0 : i32
      %dma_start3A_88 = tpu.memref_slice %arg6[%add3A_65, %dma_start3A] : memref<20480x128xf32, #tpu.memory_space<hbm>> -> memref<128x128xf32, #tpu.memory_space<hbm>>
      %dma_start3A_89 = arith.constant 0 : i32
      %dma_start3A_90 = tpu.memref_slice %arg6[%add3A_65, %dma_start3A_89] : memref<20480x128xf32, #tpu.memory_space<hbm>> -> memref<128x128xf32, #tpu.memory_space<hbm>>
      tpu.enqueue_dma source(%arg9 : memref<128x128xf32, #tpu.memory_space<vmem>>) target(%dma_start3A_90 : memref<128x128xf32, #tpu.memory_space<hbm>>) target_semaphore(%run_scoped3A : memref<!tpu.dma_semaphore, #tpu.memory_space<semaphore_mem>>)
      %dma_wait3A = arith.constant 0 : i32
      %dma_wait3A_91 = tpu.memref_slice %arg6[%add3A_65, %dma_wait3A] : memref<20480x128xf32, #tpu.memory_space<hbm>> -> memref<128x128xf32, #tpu.memory_space<hbm>>
      %dma_wait3A_92 = arith.constant 0 : i32
      %dma_wait3A_93 = tpu.memref_slice %arg6[%add3A_65, %dma_wait3A_92] : memref<20480x128xf32, #tpu.memory_space<hbm>> -> memref<128x128xf32, #tpu.memory_space<hbm>>
      tpu.wait_dma2 semaphore(%run_scoped3A : memref<!tpu.dma_semaphore, #tpu.memory_space<semaphore_mem>>) src(%arg9 : memref<128x128xf32, #tpu.memory_space<vmem>>) dst(%dma_wait3A_93 : memref<128x128xf32, #tpu.memory_space<hbm>>)
      tpu.yield
    }) : () -> ()
    %mul3A_66 = arith.constant 640 : i32
    %mul3A_67 = arith.muli %arg1, %mul3A_66 : i32
    %add3A_68 = arith.constant 384 : i32
    %add3A_69 = arith.addi %mul3A_67, %add3A_68 : i32
    "tpu.region"() ({
      %run_scoped3A = tpu.sem_alloc : memref<!tpu.dma_semaphore, #tpu.memory_space<semaphore_mem>>
      %dma_start3A = arith.constant 0 : i32
      %dma_start3A_88 = tpu.memref_slice %arg11[%add3A_69, %dma_start3A] : memref<10240x128xf32, #tpu.memory_space<vmem_shared>> -> memref<128x128xf32, #tpu.memory_space<vmem_shared>>
      %dma_start3A_89 = arith.constant 0 : i32
      %dma_start3A_90 = tpu.memref_slice %arg11[%add3A_69, %dma_start3A_89] : memref<10240x128xf32, #tpu.memory_space<vmem_shared>> -> memref<128x128xf32, #tpu.memory_space<vmem_shared>>
      tpu.enqueue_dma source(%dma_start3A_90 : memref<128x128xf32, #tpu.memory_space<vmem_shared>>) target(%arg9 : memref<128x128xf32, #tpu.memory_space<vmem>>) target_semaphore(%run_scoped3A : memref<!tpu.dma_semaphore, #tpu.memory_space<semaphore_mem>>)
      %dma_wait3A = arith.constant 0 : i32
      %dma_wait3A_91 = tpu.memref_slice %arg11[%add3A_69, %dma_wait3A] : memref<10240x128xf32, #tpu.memory_space<vmem_shared>> -> memref<128x128xf32, #tpu.memory_space<vmem_shared>>
      %dma_wait3A_92 = arith.constant 0 : i32
      %dma_wait3A_93 = tpu.memref_slice %arg11[%add3A_69, %dma_wait3A_92] : memref<10240x128xf32, #tpu.memory_space<vmem_shared>> -> memref<128x128xf32, #tpu.memory_space<vmem_shared>>
      tpu.wait_dma2 semaphore(%run_scoped3A : memref<!tpu.dma_semaphore, #tpu.memory_space<semaphore_mem>>) src(%dma_wait3A_93 : memref<128x128xf32, #tpu.memory_space<vmem_shared>>) dst(%arg9 : memref<128x128xf32, #tpu.memory_space<vmem>>)
      tpu.yield
    }) : () -> ()
    %mul3A_70 = arith.constant 10240 : i32
    %mul3A_71 = arith.muli %arg0, %mul3A_70 : i32
    %mul3A_72 = arith.constant 640 : i32
    %mul3A_73 = arith.muli %arg1, %mul3A_72 : i32
    %add3A_74 = arith.addi %mul3A_71, %mul3A_73 : i32
    %add3A_75 = arith.constant 384 : i32
    %add3A_76 = arith.addi %add3A_74, %add3A_75 : i32
    "tpu.region"() ({
      %run_scoped3A = tpu.sem_alloc : memref<!tpu.dma_semaphore, #tpu.memory_space<semaphore_mem>>
      %dma_start3A = arith.constant 0 : i32
      %dma_start3A_88 = tpu.memref_slice %arg6[%add3A_76, %dma_start3A] : memref<20480x128xf32, #tpu.memory_space<hbm>> -> memref<128x128xf32, #tpu.memory_space<hbm>>
      %dma_start3A_89 = arith.constant 0 : i32
      %dma_start3A_90 = tpu.memref_slice %arg6[%add3A_76, %dma_start3A_89] : memref<20480x128xf32, #tpu.memory_space<hbm>> -> memref<128x128xf32, #tpu.memory_space<hbm>>
      tpu.enqueue_dma source(%arg9 : memref<128x128xf32, #tpu.memory_space<vmem>>) target(%dma_start3A_90 : memref<128x128xf32, #tpu.memory_space<hbm>>) target_semaphore(%run_scoped3A : memref<!tpu.dma_semaphore, #tpu.memory_space<semaphore_mem>>)
      %dma_wait3A = arith.constant 0 : i32
      %dma_wait3A_91 = tpu.memref_slice %arg6[%add3A_76, %dma_wait3A] : memref<20480x128xf32, #tpu.memory_space<hbm>> -> memref<128x128xf32, #tpu.memory_space<hbm>>
      %dma_wait3A_92 = arith.constant 0 : i32
      %dma_wait3A_93 = tpu.memref_slice %arg6[%add3A_76, %dma_wait3A_92] : memref<20480x128xf32, #tpu.memory_space<hbm>> -> memref<128x128xf32, #tpu.memory_space<hbm>>
      tpu.wait_dma2 semaphore(%run_scoped3A : memref<!tpu.dma_semaphore, #tpu.memory_space<semaphore_mem>>) src(%arg9 : memref<128x128xf32, #tpu.memory_space<vmem>>) dst(%dma_wait3A_93 : memref<128x128xf32, #tpu.memory_space<hbm>>)
      tpu.yield
    }) : () -> ()
    %mul3A_77 = arith.constant 640 : i32
    %mul3A_78 = arith.muli %arg1, %mul3A_77 : i32
    %add3A_79 = arith.constant 512 : i32
    %add3A_80 = arith.addi %mul3A_78, %add3A_79 : i32
    "tpu.region"() ({
      %run_scoped3A = tpu.sem_alloc : memref<!tpu.dma_semaphore, #tpu.memory_space<semaphore_mem>>
      %dma_start3A = arith.constant 0 : i32
      %dma_start3A_88 = tpu.memref_slice %arg11[%add3A_80, %dma_start3A] : memref<10240x128xf32, #tpu.memory_space<vmem_shared>> -> memref<128x128xf32, #tpu.memory_space<vmem_shared>>
      %dma_start3A_89 = arith.constant 0 : i32
      %dma_start3A_90 = tpu.memref_slice %arg11[%add3A_80, %dma_start3A_89] : memref<10240x128xf32, #tpu.memory_space<vmem_shared>> -> memref<128x128xf32, #tpu.memory_space<vmem_shared>>
      tpu.enqueue_dma source(%dma_start3A_90 : memref<128x128xf32, #tpu.memory_space<vmem_shared>>) target(%arg9 : memref<128x128xf32, #tpu.memory_space<vmem>>) target_semaphore(%run_scoped3A : memref<!tpu.dma_semaphore, #tpu.memory_space<semaphore_mem>>)
      %dma_wait3A = arith.constant 0 : i32
      %dma_wait3A_91 = tpu.memref_slice %arg11[%add3A_80, %dma_wait3A] : memref<10240x128xf32, #tpu.memory_space<vmem_shared>> -> memref<128x128xf32, #tpu.memory_space<vmem_shared>>
      %dma_wait3A_92 = arith.constant 0 : i32
      %dma_wait3A_93 = tpu.memref_slice %arg11[%add3A_80, %dma_wait3A_92] : memref<10240x128xf32, #tpu.memory_space<vmem_shared>> -> memref<128x128xf32, #tpu.memory_space<vmem_shared>>
      tpu.wait_dma2 semaphore(%run_scoped3A : memref<!tpu.dma_semaphore, #tpu.memory_space<semaphore_mem>>) src(%dma_wait3A_93 : memref<128x128xf32, #tpu.memory_space<vmem_shared>>) dst(%arg9 : memref<128x128xf32, #tpu.memory_space<vmem>>)
      tpu.yield
    }) : () -> ()
    %mul3A_81 = arith.constant 10240 : i32
    %mul3A_82 = arith.muli %arg0, %mul3A_81 : i32
    %mul3A_83 = arith.constant 640 : i32
    %mul3A_84 = arith.muli %arg1, %mul3A_83 : i32
    %add3A_85 = arith.addi %mul3A_82, %mul3A_84 : i32
    %add3A_86 = arith.constant 512 : i32
    %add3A_87 = arith.addi %add3A_85, %add3A_86 : i32
    "tpu.region"() ({
      %run_scoped3A = tpu.sem_alloc : memref<!tpu.dma_semaphore, #tpu.memory_space<semaphore_mem>>
      %dma_start3A = arith.constant 0 : i32
      %dma_start3A_88 = tpu.memref_slice %arg6[%add3A_87, %dma_start3A] : memref<20480x128xf32, #tpu.memory_space<hbm>> -> memref<128x128xf32, #tpu.memory_space<hbm>>
      %dma_start3A_89 = arith.constant 0 : i32
      %dma_start3A_90 = tpu.memref_slice %arg6[%add3A_87, %dma_start3A_89] : memref<20480x128xf32, #tpu.memory_space<hbm>> -> memref<128x128xf32, #tpu.memory_space<hbm>>
      tpu.enqueue_dma source(%arg9 : memref<128x128xf32, #tpu.memory_space<vmem>>) target(%dma_start3A_90 : memref<128x128xf32, #tpu.memory_space<hbm>>) target_semaphore(%run_scoped3A : memref<!tpu.dma_semaphore, #tpu.memory_space<semaphore_mem>>)
      %dma_wait3A = arith.constant 0 : i32
      %dma_wait3A_91 = tpu.memref_slice %arg6[%add3A_87, %dma_wait3A] : memref<20480x128xf32, #tpu.memory_space<hbm>> -> memref<128x128xf32, #tpu.memory_space<hbm>>
      %dma_wait3A_92 = arith.constant 0 : i32
      %dma_wait3A_93 = tpu.memref_slice %arg6[%add3A_87, %dma_wait3A_92] : memref<20480x128xf32, #tpu.memory_space<hbm>> -> memref<128x128xf32, #tpu.memory_space<hbm>>
      tpu.wait_dma2 semaphore(%run_scoped3A : memref<!tpu.dma_semaphore, #tpu.memory_space<semaphore_mem>>) src(%arg9 : memref<128x128xf32, #tpu.memory_space<vmem>>) dst(%dma_wait3A_93 : memref<128x128xf32, #tpu.memory_space<hbm>>)
      tpu.yield
    }) : () -> ()
    return
  }
}

module attributes {stable_mosaic.version = 14 : i64} {
  func.func @_tc1_body(%arg0: i32, %arg1: memref<1024x128xf32, #tpu.memory_space<vmem>>, %arg2: memref<128x128xf32, #tpu.memory_space<vmem>>, %arg3: memref<1024x128xf32, #tpu.memory_space<vmem>>, %arg4: memref<1024x128xf32, #tpu.memory_space<vmem>>, %arg5: memref<1024x128xf32, #tpu.memory_space<vmem>>, %arg6: memref<1024x16xf32, #tpu.memory_space<vmem>>) attributes {dimension_semantics = [#tpu.dimension_semantics<arbitrary>], iteration_bounds = array<i64: 10>, scalar_prefetch = 0 : i64, scratch_operands = 0 : i64, tpu.core_type = #tpu.core_type<tc>, window_params = [{transform_indices = @transform_0, window_bounds = array<i64: 1024, 128>}, {pipeline_mode = #tpu.pipeline_mode<synchronous>, transform_indices = @transform_1, window_bounds = array<i64: 128, 128>}, {transform_indices = @transform_2, window_bounds = array<i64: 1024, 128>}, {transform_indices = @transform_3, window_bounds = array<i64: 1024, 128>}, {transform_indices = @transform_4, window_bounds = array<i64: 1024, 128>}, {transform_indices = @transform_5, window_bounds = array<i64: 1024, 16>}]} {
    %get3A = arith.constant 0 : index
    %get3A_0 = arith.constant 0 : index
    %get3A_1 = vector.load %arg3[%get3A, %get3A_0] : memref<1024x128xf32, #tpu.memory_space<vmem>>, vector<1024x1xf32>
    %get3A_2 = arith.constant 0 : index
    %get3A_3 = arith.constant 0 : index
    %get3A_4 = vector.load %arg4[%get3A_2, %get3A_3] : memref<1024x128xf32, #tpu.memory_space<vmem>>, vector<1024x1xf32>
    %add3A = arith.addf %get3A_1, %get3A_4 : vector<1024x1xf32>
    %add3A_5 = arith.constant 1.000000e+00 : f32
    %add3A_6 = vector.broadcast %add3A_5 : f32 to vector<1024x1xf32>
    %add3A_7 = arith.addf %add3A, %add3A_6 : vector<1024x1xf32>
    %rsqrt3A = math.rsqrt %add3A_7 : vector<1024x1xf32>
    %get3A_8 = arith.constant 0 : index
    %get3A_9 = arith.constant 0 : index
    %get3A_10 = vector.load %arg1[%get3A_8, %get3A_9] : memref<1024x128xf32, #tpu.memory_space<vmem>>, vector<1024x128xf32>
    %get3A_11 = arith.constant 0 : index
    %get3A_12 = arith.constant 0 : index
    %get3A_13 = vector.load %arg2[%get3A_11, %get3A_12] : memref<128x128xf32, #tpu.memory_space<vmem>>, vector<128x128xf32>
    %dot_general3A = arith.constant dense<0.000000e+00> : vector<1024x128xf32>
    %dot_general3A_14 = tpu.matmul %get3A_10, %get3A_13, %dot_general3A {dimension_numbers = #tpu.dot_dimension_numbers<[1], [0], [0], [1], [0, 0, 1, 1], [], []>, transpose_lhs_hint = false} : vector<1024x128xf32>, vector<128x128xf32>, vector<1024x128xf32> -> vector<1024x128xf32>
    %mul3A = vector.broadcast %rsqrt3A : vector<1024x1xf32> to vector<1024x128xf32>
    %mul3A_15 = arith.mulf %dot_general3A_14, %mul3A : vector<1024x128xf32>
    %swap3A = arith.constant 0 : index
    %swap3A_16 = arith.constant 0 : index
    %swap3A_17 = vector.load %arg5[%swap3A, %swap3A_16] : memref<1024x128xf32, #tpu.memory_space<vmem>>, vector<1024x128xf32>
    tpu.vector_store %arg5[%swap3A, %swap3A_16], %mul3A_15 {strides = array<i32>} : memref<1024x128xf32, #tpu.memory_space<vmem>>, vector<1024x128xf32>,
    %broadcast_in_dim3A = vector.shape_cast %rsqrt3A : vector<1024x1xf32> to vector<1024x1xf32>
    %broadcast_in_dim3A_18 = vector.broadcast %broadcast_in_dim3A : vector<1024x1xf32> to vector<1024x16xf32>
    %swap3A_19 = arith.constant 0 : index
    %swap3A_20 = arith.constant 0 : index
    %swap3A_21 = vector.load %arg6[%swap3A_19, %swap3A_20] : memref<1024x16xf32, #tpu.memory_space<vmem>>, vector<1024x16xf32>
    tpu.vector_store %arg6[%swap3A_19, %swap3A_20], %broadcast_in_dim3A_18 {strides = array<i32>} : memref<1024x16xf32, #tpu.memory_space<vmem>>, vector<1024x16xf32>,
    return
  }
  func.func @transform_0(%arg0: i32) -> (i32, i32) {
    %c0_i32 = arith.constant 0 : i32
    %c0_i32_0 = arith.constant 0 : i32
    return %arg0, %c0_i32 : i32, i32
  }
  func.func @transform_1(%arg0: i32) -> (i32, i32) {
    %c0_i32 = arith.constant 0 : i32
    %c0_i32_0 = arith.constant 0 : i32
    %c0_i32_1 = arith.constant 0 : i32
    return %c0_i32, %c0_i32_0 : i32, i32
  }
  func.func @transform_2(%arg0: i32) -> (i32, i32) {
    %c0_i32 = arith.constant 0 : i32
    %c0_i32_0 = arith.constant 0 : i32
    return %arg0, %c0_i32 : i32, i32
  }
  func.func @transform_3(%arg0: i32) -> (i32, i32) {
    %c0_i32 = arith.constant 0 : i32
    %c0_i32_0 = arith.constant 0 : i32
    return %arg0, %c0_i32 : i32, i32
  }
  func.func @transform_4(%arg0: i32) -> (i32, i32) {
    %c0_i32 = arith.constant 0 : i32
    %c0_i32_0 = arith.constant 0 : i32
    return %arg0, %c0_i32 : i32, i32
  }
  func.func @transform_5(%arg0: i32) -> (i32, i32) {
    %c0_i32 = arith.constant 0 : i32
    %c0_i32_0 = arith.constant 0 : i32
    return %arg0, %c0_i32 : i32, i32
  }
}

module attributes {stable_mosaic.version = 14 : i64} {
  func.func @_tc2_body(%arg0: i32, %arg1: memref<1024x128xf32, #tpu.memory_space<vmem>>, %arg2: memref<1024x128xf32, #tpu.memory_space<vmem>>, %arg3: memref<1024x128xf32, #tpu.memory_space<vmem>>, %arg4: memref<1024x16xf32, #tpu.memory_space<vmem>>, %arg5: memref<1x128xf32, #tpu.memory_space<vmem>>, %arg6: memref<128x128xf32, #tpu.memory_space<vmem>>, %arg7: memref<1024x128xf32, #tpu.memory_space<vmem>>) attributes {dimension_semantics = [#tpu.dimension_semantics<arbitrary>], iteration_bounds = array<i64: 10>, scalar_prefetch = 0 : i64, scratch_operands = 0 : i64, tpu.core_type = #tpu.core_type<tc>, window_params = [{transform_indices = @transform_0, window_bounds = array<i64: 1024, 128>}, {transform_indices = @transform_1, window_bounds = array<i64: 1024, 128>}, {transform_indices = @transform_2, window_bounds = array<i64: 1024, 128>}, {transform_indices = @transform_3, window_bounds = array<i64: 1024, 16>}, {pipeline_mode = #tpu.pipeline_mode<synchronous>, transform_indices = @transform_4, window_bounds = array<i64: 1, 128>}, {pipeline_mode = #tpu.pipeline_mode<synchronous>, transform_indices = @transform_5, window_bounds = array<i64: 128, 128>}, {transform_indices = @transform_6, window_bounds = array<i64: 1024, 128>}]} {
    %get3A = arith.constant 0 : index
    %get3A_0 = arith.constant 0 : index
    %get3A_1 = vector.load %arg4[%get3A, %get3A_0] : memref<1024x16xf32, #tpu.memory_space<vmem>>, vector<1024x1xf32>
    %get3A_2 = arith.constant 0 : index
    %get3A_3 = arith.constant 0 : index
    %get3A_4 = vector.load %arg1[%get3A_2, %get3A_3] : memref<1024x128xf32, #tpu.memory_space<vmem>>, vector<1024x128xf32>
    %get3A_5 = arith.constant 0 : index
    %get3A_6 = arith.constant 0 : index
    %get3A_7 = vector.load %arg2[%get3A_5, %get3A_6] : memref<1024x128xf32, #tpu.memory_space<vmem>>, vector<1024x128xf32>
    %add3A = arith.addf %get3A_4, %get3A_7 : vector<1024x128xf32>
    %get3A_8 = arith.constant 0 : index
    %get3A_9 = arith.constant 0 : index
    %get3A_10 = vector.load %arg3[%get3A_8, %get3A_9] : memref<1024x128xf32, #tpu.memory_space<vmem>>, vector<1024x128xf32>
    %add3A_11 = arith.addf %add3A, %get3A_10 : vector<1024x128xf32>
    %mul3A = vector.broadcast %get3A_1 : vector<1024x1xf32> to vector<1024x128xf32>
    %mul3A_12 = arith.mulf %add3A_11, %mul3A : vector<1024x128xf32>
    %get3A_13 = arith.constant 0 : index
    %get3A_14 = arith.constant 0 : index
    %get3A_15 = vector.load %arg5[%get3A_13, %get3A_14] : memref<1x128xf32, #tpu.memory_space<vmem>>, vector<1x128xf32>
    %add3A_16 = vector.broadcast %get3A_15 : vector<1x128xf32> to vector<1024x128xf32>
    %add3A_17 = arith.addf %mul3A_12, %add3A_16 : vector<1024x128xf32>
    %max3A = arith.constant 0.000000e+00 : f32
    %max3A_18 = vector.broadcast %max3A : f32 to vector<1024x128xf32>
    %max3A_19 = arith.maximumf %add3A_17, %max3A_18 : vector<1024x128xf32>
    %get3A_20 = arith.constant 0 : index
    %get3A_21 = arith.constant 0 : index
    %get3A_22 = vector.load %arg6[%get3A_20, %get3A_21] : memref<128x128xf32, #tpu.memory_space<vmem>>, vector<128x128xf32>
    %dot_general3A = arith.constant dense<0.000000e+00> : vector<1024x128xf32>
    %dot_general3A_23 = tpu.matmul %max3A_19, %get3A_22, %dot_general3A {dimension_numbers = #tpu.dot_dimension_numbers<[1], [0], [0], [1], [0, 0, 1, 1], [], []>, transpose_lhs_hint = false} : vector<1024x128xf32>, vector<128x128xf32>, vector<1024x128xf32> -> vector<1024x128xf32>
    %mul3A_24 = vector.broadcast %get3A_1 : vector<1024x1xf32> to vector<1024x128xf32>
    %mul3A_25 = arith.mulf %dot_general3A_23, %mul3A_24 : vector<1024x128xf32>
    %swap3A = arith.constant 0 : index
    %swap3A_26 = arith.constant 0 : index
    %swap3A_27 = vector.load %arg7[%swap3A, %swap3A_26] : memref<1024x128xf32, #tpu.memory_space<vmem>>, vector<1024x128xf32>
    tpu.vector_store %arg7[%swap3A, %swap3A_26], %mul3A_25 {strides = array<i32>} : memref<1024x128xf32, #tpu.memory_space<vmem>>, vector<1024x128xf32>,
    return
  }
  func.func @transform_0(%arg0: i32) -> (i32, i32) {
    %c0_i32 = arith.constant 0 : i32
    %c0_i32_0 = arith.constant 0 : i32
    return %arg0, %c0_i32 : i32, i32
  }
  func.func @transform_1(%arg0: i32) -> (i32, i32) {
    %c0_i32 = arith.constant 0 : i32
    %c0_i32_0 = arith.constant 0 : i32
    return %arg0, %c0_i32 : i32, i32
  }
  func.func @transform_2(%arg0: i32) -> (i32, i32) {
    %c0_i32 = arith.constant 0 : i32
    %c0_i32_0 = arith.constant 0 : i32
    return %arg0, %c0_i32 : i32, i32
  }
  func.func @transform_3(%arg0: i32) -> (i32, i32) {
    %c0_i32 = arith.constant 0 : i32
    %c0_i32_0 = arith.constant 0 : i32
    return %arg0, %c0_i32 : i32, i32
  }
  func.func @transform_4(%arg0: i32) -> (i32, i32) {
    %c0_i32 = arith.constant 0 : i32
    %c0_i32_0 = arith.constant 0 : i32
    %c0_i32_1 = arith.constant 0 : i32
    return %c0_i32, %c0_i32_0 : i32, i32
  }
  func.func @transform_5(%arg0: i32) -> (i32, i32) {
    %c0_i32 = arith.constant 0 : i32
    %c0_i32_0 = arith.constant 0 : i32
    %c0_i32_1 = arith.constant 0 : i32
    return %c0_i32, %c0_i32_0 : i32, i32
  }
  func.func @transform_6(%arg0: i32) -> (i32, i32) {
    %c0_i32 = arith.constant 0 : i32
    %c0_i32_0 = arith.constant 0 : i32
    return %arg0, %c0_i32 : i32, i32
  }
}

module attributes {stable_mosaic.version = 14 : i64} {
  func.func @_tc3_body(%arg0: i32, %arg1: memref<1024x128xf32, #tpu.memory_space<vmem>>, %arg2: memref<1024x128xf32, #tpu.memory_space<vmem>>, %arg3: memref<1024x128xf32, #tpu.memory_space<vmem>>, %arg4: memref<1024x16xf32, #tpu.memory_space<vmem>>, %arg5: memref<1x128xf32, #tpu.memory_space<vmem>>, %arg6: memref<1024x128xf32, #tpu.memory_space<vmem>>) attributes {dimension_semantics = [#tpu.dimension_semantics<arbitrary>], iteration_bounds = array<i64: 10>, scalar_prefetch = 0 : i64, scratch_operands = 0 : i64, tpu.core_type = #tpu.core_type<tc>, window_params = [{transform_indices = @transform_0, window_bounds = array<i64: 1024, 128>}, {transform_indices = @transform_1, window_bounds = array<i64: 1024, 128>}, {transform_indices = @transform_2, window_bounds = array<i64: 1024, 128>}, {transform_indices = @transform_3, window_bounds = array<i64: 1024, 16>}, {pipeline_mode = #tpu.pipeline_mode<synchronous>, transform_indices = @transform_4, window_bounds = array<i64: 1, 128>}, {transform_indices = @transform_5, window_bounds = array<i64: 1024, 128>}]} {
    %get3A = arith.constant 0 : index
    %get3A_0 = arith.constant 0 : index
    %get3A_1 = vector.load %arg4[%get3A, %get3A_0] : memref<1024x16xf32, #tpu.memory_space<vmem>>, vector<1024x1xf32>
    %get3A_2 = arith.constant 0 : index
    %get3A_3 = arith.constant 0 : index
    %get3A_4 = vector.load %arg1[%get3A_2, %get3A_3] : memref<1024x128xf32, #tpu.memory_space<vmem>>, vector<1024x128xf32>
    %get3A_5 = arith.constant 0 : index
    %get3A_6 = arith.constant 0 : index
    %get3A_7 = vector.load %arg2[%get3A_5, %get3A_6] : memref<1024x128xf32, #tpu.memory_space<vmem>>, vector<1024x128xf32>
    %add3A = arith.addf %get3A_4, %get3A_7 : vector<1024x128xf32>
    %get3A_8 = arith.constant 0 : index
    %get3A_9 = arith.constant 0 : index
    %get3A_10 = vector.load %arg3[%get3A_8, %get3A_9] : memref<1024x128xf32, #tpu.memory_space<vmem>>, vector<1024x128xf32>
    %add3A_11 = arith.addf %add3A, %get3A_10 : vector<1024x128xf32>
    %mul3A = vector.broadcast %get3A_1 : vector<1024x1xf32> to vector<1024x128xf32>
    %mul3A_12 = arith.mulf %add3A_11, %mul3A : vector<1024x128xf32>
    %get3A_13 = arith.constant 0 : index
    %get3A_14 = arith.constant 0 : index
    %get3A_15 = vector.load %arg5[%get3A_13, %get3A_14] : memref<1x128xf32, #tpu.memory_space<vmem>>, vector<1x128xf32>
    %add3A_16 = vector.broadcast %get3A_15 : vector<1x128xf32> to vector<1024x128xf32>
    %add3A_17 = arith.addf %mul3A_12, %add3A_16 : vector<1024x128xf32>
    %swap3A = arith.constant 0 : index
    %swap3A_18 = arith.constant 0 : index
    %swap3A_19 = vector.load %arg6[%swap3A, %swap3A_18] : memref<1024x128xf32, #tpu.memory_space<vmem>>, vector<1024x128xf32>
    tpu.vector_store %arg6[%swap3A, %swap3A_18], %add3A_17 {strides = array<i32>} : memref<1024x128xf32, #tpu.memory_space<vmem>>, vector<1024x128xf32>,
    return
  }
  func.func @transform_0(%arg0: i32) -> (i32, i32) {
    %c0_i32 = arith.constant 0 : i32
    %c0_i32_0 = arith.constant 0 : i32
    return %arg0, %c0_i32 : i32, i32
  }
  func.func @transform_1(%arg0: i32) -> (i32, i32) {
    %c0_i32 = arith.constant 0 : i32
    %c0_i32_0 = arith.constant 0 : i32
    return %arg0, %c0_i32 : i32, i32
  }
  func.func @transform_2(%arg0: i32) -> (i32, i32) {
    %c0_i32 = arith.constant 0 : i32
    %c0_i32_0 = arith.constant 0 : i32
    return %arg0, %c0_i32 : i32, i32
  }
  func.func @transform_3(%arg0: i32) -> (i32, i32) {
    %c0_i32 = arith.constant 0 : i32
    %c0_i32_0 = arith.constant 0 : i32
    return %arg0, %c0_i32 : i32, i32
  }
  func.func @transform_4(%arg0: i32) -> (i32, i32) {
    %c0_i32 = arith.constant 0 : i32
    %c0_i32_0 = arith.constant 0 : i32
    %c0_i32_1 = arith.constant 0 : i32
    return %c0_i32, %c0_i32_0 : i32, i32
  }
  func.func @transform_5(%arg0: i32) -> (i32, i32) {
    %c0_i32 = arith.constant 0 : i32
    %c0_i32_0 = arith.constant 0 : i32
    return %arg0, %c0_i32 : i32, i32
  }
}

</mosaic_0001>

<sc_bundles>
// kernel: kernel.11.cloned.1.call-start
scs
__scs_entry_jumppad:
0x0: {  	(pc) =	sbr.rel $0x88, $3  }
0x1: {  	(tag) =	ssettag $0x0;
	lr =	simm.s32 $0x1  }
0x2: {  	[smem:$0x3F9B] =	sst lr;
	_ =	strace $0xD0000000  }
0x3: {  	_ = 	snop  }
0x4: {  	_ = 	snop  }
0x5: {  	_ = 	snop  }
0x6: {  	_ = 	snop  }
0x7: {  	_ = 	snop  }
__scs_overlays_trampoline_lowered:
0x8: {  	[smem:$0x3FAA] =	sst s0  }
0x9: {  	[smem:$0x3FAB] =	sst s1  }
0xa: {  	[smem:$0x3FAC] =	sst s2  }
0xb: {  	[smem:$0x3FAD] =	sst s3  }
0xc: {  	[smem:$0x3FAE] =	sst s4  }
0xd: {  	[smem:$0x3FAF] =	sst s5  }
0xe: {  	[smem:$0x3FB0] =	sst s6  }
0xf: {  	[smem:$0x3FB1] =	sst s7  }
0x10: {  	[smem:$0x3FB2] =	sst s8  }
0x11: {  	[smem:$0x3FB3] =	sst s9;
	s0 =	simm.s32 @!p0 $0x0  }
0x12: {  	s1 =	sld [smem:$0x3F99];
	s0 =	simm.s32 @p0 $0x1  }
0x13: {  	[smem:$0x3FB4] =	sst s0;
	s0 =	simm.s32 @!p1 $0x0  }
0x14: {  	s2 =	sld [smem:$0x3F98];
	s0 =	simm.s32 @p1 $0x1  }
0x15: {  	[smem:$0x3FB5] =	sst s0;
	s0 =	simm.s32 @!p2 $0x0  }
0x16: {  	s3 =	sld [smem:$0x3FDB];
	s0 =	simm.s32 @p2 $0x1  }
0x17: {  	s4 =	simm.s32 $0x1BF5;
	[smem:$0x3FB7] =	sst s0  }
0x18: {  	s0 =	sld [smem:$0x3F9A];
	_ =	swait.ge [sflag:s4], $0x0  }
0x19: {  	s7 =	sld [smem:$0x3F9B]  }
0x1a: {  	s8 =	sadd.s32 $0xFFFFE003, lr  }
0x1b: {  	s9 =	sadd.s32 $0xFFFFFEF7, lr;
	s5 =	simm.s32 $0xFFFFFFFF;
	p2 =	slt.u32 s8, $0xFFFFF086  }
0x1c: {  	p1 =	slt.u32 s9, $0xF7A;
	s5 =	simm.s32 @!p2 $0x0  }
0x1d: {  	s5 =	simm.s32 @p1 $0x1;
	p0 =	seq.s32 s7, s2  }
0x1e: {  	s7 =	smul.u32 @!p0 $0xF7A, s2;
	p2 =	seq.s32 @!p0 s5, $0x0  }
0x1f: {  	s9 =	smul.u32 $0xF7A, s1;
	s8 =	simm.s32 @!p0 $0x1BF5;
	p2 =	por !p2, p0  }
0x20: {  	[sflag:s8] =	ssyncset.s32 @!p0 $0xFFFFF086;
	s6 =	sadd.s32 @!p0 s3, s7;
	s7 =	simm.s32 @!p0 $0x108  }
0x21: {  	s3 =	sadd.s32 s3, s9;
	s6 =	sadd.s32 @!p0 $0x88, s6;
	s7 =	simm.s32 @p2 $0x1082  }
0x22: {  	[simem:s7], [sflag:s8] =	dma.local @!p0 [hbm:s6], $0xF7A  }
0x23: {  	s9 =	sor.u32 $0xD0000000, s2;
	s6 =	simm.s32 $0x108;
	_ =	swait.ge @!p0 [sflag:s8], $0x0  }
0x24: {  	s3 =	sadd.s32 $0x88, s3;
	s6 =	simm.s32 @!p1 $0x1082;
	[sflag:s4] =	ssyncset.s32 $0xFFFFF086  }
0x25: {  	[simem:s6], [sflag:s4] =	dma.local [hbm:s3], $0xF7A  }
0x26: {  	[smem:$0x3F9B] =	sst s1;
	(tag) =	ssettag s2;
	_ =	strace s9  }
0x27: {  	s1 =	sld [smem:$0x3FAB]  }
0x28: {  	s2 =	sld [smem:$0x3FAC]  }
0x29: {  	s4 =	sld [smem:$0x3FAE]  }
0x2a: {  	p0 =	seq.s32 s5, $0x0;
	s5 =	sld [smem:$0x3FAF]  }
0x2b: {  	s6 =	sld [smem:$0x3FB0]  }
0x2c: {  	s7 =	sld [smem:$0x3FB1]  }
0x2d: {  	s3 =	simm.s32 $0x108;
	s8 =	sld [smem:$0x3FB2]  }
0x2e: {  	s3 =	simm.s32 @!p0 $0x1082;
	s9 =	sld [smem:$0x3FB3]  }
0x2f: {  	lr =	sadd.s32 s0, s3;
	s0 =	sld [smem:$0x3FAA]  }
0x30: {  	s3 =	sld [smem:$0x3FAD]  }
0x31: {  	[smem:$0x3FB6] =	sst s10  }
0x32: {  	s10 =	sld [smem:$0x3FB4];
	_ =	sdelay $0x3  }
0x33: {  	p0 =	seq.s32 s10, $0x1;
	s10 =	sld [smem:$0x3FB6];
	_ =	sdelay $0x3  }
0x34: {  	[smem:$0x3FB6] =	sst s10  }
0x35: {  	s10 =	sld [smem:$0x3FB5];
	_ =	sdelay $0x3  }
0x36: {  	p1 =	seq.s32 s10, $0x1;
	s10 =	sld [smem:$0x3FB6];
	_ =	sdelay $0x3  }
0x37: {  	[smem:$0x3FB6] =	sst s10  }
0x38: {  	s10 =	sld [smem:$0x3FB7]  }
0x39: {  	_ = 	snop;
	(pc) =	sbr.ind lr, $3  }
0x3a: {  	_ = 	snop  }
0x3b: {  	_ = 	snop  }
0x3c: {  	p2 =	seq.s32 s10, $0x1;
	s10 =	sld [smem:$0x3FB6]  }
0x3d: {  	_ =	shalt  }
0x3e: {  	_ =	shalt  }
0x3f: {  	_ =	shalt  }
0x40: {  	_ =	shalt  }
0x41: {  	_ =	shalt  }
0x42: {  	_ =	shalt  }
0x43: {  	_ =	shalt  }
0x44: {  	_ =	shalt  }
0x45: {  	_ =	shalt  }
0x46: {  	_ =	shalt  }
0x47: {  	_ =	shalt  }
0x48: {  	_ =	shalt  }
0x49: {  	_ =	shalt  }
0x4a: {  	_ =	shalt  }
0x4b: {  	_ =	shalt  }
0x4c: {  	_ =	shalt  }
0x4d: {  	_ =	shalt  }
0x4e: {  	_ =	shalt  }
0x4f: {  	_ =	shalt  }
0x50: {  	_ =	shalt  }
0x51: {  	_ =	shalt  }
0x52: {  	_ =	shalt  }
0x53: {  	_ =	shalt  }
0x54: {  	_ =	shalt  }
0x55: {  	_ =	shalt  }
0x56: {  	_ =	shalt  }
0x57: {  	_ =	shalt  }
0x58: {  	_ =	shalt  }
0x59: {  	_ =	shalt  }
0x5a: {  	_ =	shalt  }
0x5b: {  	_ =	shalt  }
0x5c: {  	_ =	shalt  }
0x5d: {  	_ =	shalt  }
0x5e: {  	_ =	shalt  }
0x5f: {  	_ =	shalt  }
0x60: {  	_ =	shalt  }
0x61: {  	_ =	shalt  }
0x62: {  	_ =	shalt  }
0x63: {  	_ =	shalt  }
0x64: {  	_ =	shalt  }
0x65: {  	_ =	shalt  }
0x66: {  	_ =	shalt  }
0x67: {  	_ =	shalt  }
0x68: {  	_ =	shalt  }
0x69: {  	_ =	shalt  }
0x6a: {  	_ =	shalt  }
0x6b: {  	_ =	shalt  }
0x6c: {  	_ =	shalt  }
0x6d: {  	_ =	shalt  }
0x6e: {  	_ =	shalt  }
0x6f: {  	_ =	shalt  }
0x70: {  	_ =	shalt  }
0x71: {  	_ =	shalt  }
0x72: {  	_ =	shalt  }
0x73: {  	_ =	shalt  }
0x74: {  	_ =	shalt  }
0x75: {  	_ =	shalt  }
0x76: {  	_ =	shalt  }
0x77: {  	_ =	shalt  }
0x78: {  	_ =	shalt  }
0x79: {  	_ =	shalt  }
0x7a: {  	_ =	shalt  }
0x7b: {  	_ =	shalt  }
0x7c: {  	_ =	shalt  }
0x7d: {  	_ =	shalt  }
0x7e: {  	_ =	shalt  }
0x7f: {  	_ =	shalt  }
0x80: {  	_ =	shalt  }
0x81: {  	_ =	shalt  }
0x82: {  	_ =	shalt  }
0x83: {  	_ =	shalt  }
0x84: {  	_ =	shalt  }
0x85: {  	_ =	shalt  }
0x86: {  	_ =	shalt  }
0x87: {  	_ =	shalt  }
.Lfunc_end0:
.L_simem_size_0:
called_computation.1_lowered:
.L_overlay_start_0:
0x88: {  	s2 =	sld [smem:$0x3FD9]  }
0x89: {  	s3 =	sld [smem:$0x3FFE];
	_ =	sdelay $0x1  }
0x8a: {  	s1 =	srdreg.scid  }
0x8b: {  	s0 =	sand.u32 $0x1, s1  }
0x8c: {  	s17 =	sshll.u32 s0, $0xA;
	s2 =	sadd.s32 s3, s2  }
0x8d: {  	s2 =	sadd.s32 s2, s17  }
0x8e: {  	[smem:$0x3FC2] =	sst s2  }
0x8f: {  	_ = 	snop  }
0x90: {  	s2 =	sld [smem:$0x3FD0];
	(tm) =	ssettm $0x1  }
0x91: {  	s18 =	sld [smem:$0x3FFB];
	_ =	sdelay $0x3  }
0x92: {  	_ =	strace s18  }
0x93: {  	s3 =	sld [smem:$0x3FFC];
	_ =	sdelay $0x3  }
0x94: {  	_ =	strace s3  }
0x95: {  	s3 =	sld [smem:$0x3FFD];
	_ =	sdelay $0x3  }
0x96: {  	_ =	strace s3  }
0x97: {  	_ =	strace $0x8FFFFFFF  }
0x98: {  	s19 =	sld [smem:$0x3FDB];
	_ =	sdelay $0x1  }
0x99: {  	s4 =	simm.s32 $_scs_section_size  }
0x9a: {  	s5 =	simm.s32 $_size__tile_overlayer_lowered;
	s6 =	simm.s32 $_tile_overlayer_lowered  }
0x9b: {  	s22 =	simm.s32 $0x1BFF;
	s21 =	sshll.u32 s6, $0x1;
	s3 =	sadd.s32 s4, s19  }
0x9c: {  	s7 =	simm.s32 $0x0;
	s20 =	sshll.u32 s5, $0x1;
	s5 =	sadd.s32 s21, s3  }
0x9d: {  	[timem:s7], [sflag:s22] =	dma.local [hbm:s5], s20  }
0x9e: {  	_ =	swait.ge [sflag:s22], s20  }
0x9f: {  	s4 =	ssub.s32 $0x0, s20;
	[sflag:s22] =	ssyncset.done $0x0  }
0xa0: {  	[sflag:s22] =	ssyncadd.s32 s4;
	_ =	sdelay $0x1  }
0xa1: {  	s23 =	simm.s32 $0x1B8B  }
0xa2: {  	_ =	swait.ge [sflag:s23], $0x1  }
0xa3: {  	[sflag:s23] =	ssyncset.done $0x0  }
0xa4: {  	s25 =	simm.s32 $0x1B8E;
	s24 =	sld [smem:$0x3FFE];
	[sflag:s23] =	ssyncadd.s32 $0xFFFFFFFF  }
0xa5: {  	s26 =	simm.s32 $execute0_lowered;
	[smem:$0x3FD2] =	sst s25  }
0xa6: {  	s5 =	sshll.u32 s26, $0x1;
	_ =	strace $0x80000049;
	[dreg:$0x1] =	wrdreg $0xFFFFFFFF  }
0xa7: {  	s28 =	simm.s32 $_size_execute0_lowered;
	s3 =	sadd.s32 s3, s5;
	[dreg:$0x0] =	wrdreg $0x0  }
0xa8: {  	s5 =	sshll.u32 s28, $0x1;
	[dreg:$0x2] =	wrdreg s3  }
0xa9: {  	[dreg:$0x3] =	wrdreg s5  }
0xaa: {  	[dreg:$0x4] =	wrdreg $0xC0  }
0xab: {  	_ =	task [dreg:s7], $0x5FFFF  }
0xac: {  	[dreg:$0x1] =	wrdreg $0xFFFFFFFF  }
0xad: {  	[dreg:$0x0] =	wrdreg $0x60  }
0xae: {  	[dreg:$0x2] =	wrdreg s24  }
0xaf: {  	[dreg:$0x3] =	wrdreg s2  }
0xb0: {  	[dreg:$0x4] =	wrdreg $0xB8000  }
0xb1: {  	[dreg:$0x5] =	wrdreg $0x9  }
0xb2: {  	_ =	task.clear_ibuf [dreg:s7], $0x6FFFF;
	_ =	strace $0x90000049  }
0xb3: {  	s29 =	simm.s32 $0x9;
	_ =	strace $0x8000004B  }
0xb4: {  	_ =	swait.ge [sflag:s29], $0x1  }
0xb5: {  	[sflag:s29] =	ssyncadd.s32 $0xFFFFFFFF  }
0xb6: {  	_ =	strace $0x9000004B  }
0xb7: {  	_ =	sfence  }
0xb8: {  	s30 =	sld [smem:$0x0];
	_ =	sdelay $0x2  }
0xb9: {  	s31 =	sshll.u32 s1, $0xD;
	s1 =	sshrl.u32 s1, $0x2  }
0xba: {  	s3 =	sand.u32 $0x4000, s31;
	s1 =	sadd.s32 s1, s30  }
0xbb: {  	s0 =	sor.u32 s3, s0;
	s1 =	sshll.u32 s1, $0x11  }
0xbc: {  	s0 =	sor.u32 s1, s0  }
0xbd: {  	s0 =	sadd.s32 $0x8F2B, s0  }
0xbe: {  	[sflag:s0] =	ssyncadd.remote.s32 $0x1  }
0xbf: {  	_ =	sfence.sel $0xFFFF  }
0xc0: {  	[dreg:$0x0] =	wrdreg $0xFFFFFFFF;
	(pc) =	sbr.abs _section_cstart, $3  }
0xc1: {  	[dreg:$0x1] =	wrdreg $0xFFFFFFFF  }
0xc2: {  	_ =	task.clear_ibuf [dreg:s7], $0x2FFFF;
	_ =	strace $0x9FFFFFFF  }
0xc3: {  	(tm) =	ssettm $0x7FFFFFFF  }
tec
execute0_lowered:
.L_overlay_start_1:
0x0: {  	(tag) =	ssettag $0x1  }
0x1: {  	s6 =	rddreg [dreg:$0x0]  }
0x2: {  	s7 =	rddreg [dreg:$0x1]  }
0x3: {  	s0 =	srdreg.scid;
	s2 =	rddreg [dreg:$0x2];
	s3 =	simm.s32 $0x0  }
0x4: {  	s20 =	simm.s32 $0x2;
	s21 =	simm.s32 $0x7800;
	s22 =	simm.s32 $0x80  }
0x5: {  	s23 =	simm.s32 $0x1;
	s13 =	sand.u32 $0x1, s0;
	s0 =	stileid.u32  }
0x6: {  	s24 =	simm.s32 $0x0;
	[smem:$0x7FF] =	sst s3;
	s5 =	smul.u32 $0x280, s0  }
0x7: {  	s4 =	sadd.s32 $0xDA00, s6;
	s1 =	sshll.u32 s13, $0x4;
	s9 =	smul.u32 $0x2800, s13  }
0x8: {  	s11 =	ssub.s32 $0x2, s13;
	s12 =	smul.u32 $0x50000, s0;
	p0 =	seq.s32 s13, $0x0  }
0x9: {  	s13 =	simm.s32 $0x78;
	s1 =	sor.u32 s0, s1;
	s14 =	sshrl.u32 s11, $0x1  }
0xa: {  	s13 =	simm.s32 @!p0 $0x28;
	s8 =	smul.u32 $0x780, s1;
	s1 =	rddreg [dreg:$0x3]  }
0xb: {  	_ =	strace $0x8000004A;
	s9 =	sadd.s32 s5, s9;
	s5 =	sadd.s32 $0xD200, s6  }
0xc: {  	s19 =	ssub.s32 s11, s14;
	s31 =	sshrl.u32 s12, $0x2;
	s9 =	sshll.u32 s9, $0x4  }
0xd: {  	s19 =	smax.u32 s19, $0x1;
	s10 =	sadd.s32 s8, s6;
	s18 =	sadd.s32 s9, s6  }
0xe: {  	s7 =	sadd.s32 s7, s8;
	s8 =	sadd.s32 s31, s2;
	s6 =	sadd.s32 $0x5E200, s10  }
0xf: {  	s9 =	sadd.s32 $0x4000, s8;
	s10 =	sadd.s32 $0x8000, s8;
	s11 =	sadd.s32 $0xC000, s8  }
0x10: {  	s12 =	sadd.s32 $0x10000, s8;
	s14 =	sadd.s32 $0x6D200, s18;
	s15 =	sadd.s32 $0x6DA00, s18  }
0x11: {  	s16 =	sadd.s32 $0x6E200, s18;
	s17 =	sadd.s32 $0x6EA00, s18;
	s18 =	sadd.s32 $0x6F200, s18  }
.LBB2_1:
0x12: {  	[tilespmem:s3], [sflag:$0x2] =	stream.linear.gather [hbm4b:s6+s3], $0x3C00, $0x38;
	[tilespmem:$0x1F800] =	vst v63  }
0x13: {  	_ =	swait.ge [sflag:s20], $0x3C00  }
0x14: {  	[sflag:s20] =	ssyncset.done $0x0  }
0x15: {  	s25 =	simm.s32 $0x3C00;
	[sflag:s20] =	ssyncadd.s32 $0xFFFFC400  }
0x16: {  	[tilespmem:s25], [sflag:$0x2] =	stream.linear.gather [hbm4b:s7+s3], $0x3C00, $0x38;
	[tilespmem:$0x1F800] =	vst v63  }
0x17: {  	_ =	swait.ge [sflag:s20], $0x3C00  }
0x18: {  	[sflag:s20] =	ssyncset.done $0x0  }
0x19: {  	[sflag:s20] =	ssyncadd.s32 $0xFFFFC400  }
0x1a: {  	[tilespmem:s21], [sflag:$0x2] =	stream.linear.gather [hbm4b:s5+s3], $0x4000, $0x38;
	[tilespmem:$0x1F800] =	vst v63  }
0x1b: {  	_ =	swait.ge [sflag:s20], $0x4000  }
0x1c: {  	[sflag:s20] =	ssyncset.done $0x0  }
0x1d: {  	[sflag:s20] =	ssyncadd.s32 $0xFFFFC000  }
0x1e: {  	[spmem:s8] =	stream.linear.scatter [tilespmem:s21], [sflag:$0x2], $0x4000, $0x38;
	[tilespmem:$0x1F800] =	vst v63  }
0x1f: {  	_ =	swait.ge [sflag:s20], $0x4000  }
0x20: {  	[sflag:s20] =	ssyncset.done $0x0  }
0x21: {  	[sflag:s20] =	ssyncadd.s32 $0xFFFFC000  }
0x22: {  	[spmem:s9] =	stream.linear.scatter [tilespmem:s21], [sflag:$0x2], $0x4000, $0x38;
	[tilespmem:$0x1F800] =	vst v63  }
0x23: {  	_ =	swait.ge [sflag:s20], $0x4000  }
0x24: {  	[sflag:s20] =	ssyncset.done $0x0  }
0x25: {  	[sflag:s20] =	ssyncadd.s32 $0xFFFFC000  }
0x26: {  	[spmem:s10] =	stream.linear.scatter [tilespmem:s21], [sflag:$0x2], $0x4000, $0x38;
	[tilespmem:$0x1F800] =	vst v63  }
0x27: {  	_ =	swait.ge [sflag:s20], $0x4000  }
0x28: {  	[sflag:s20] =	ssyncset.done $0x0  }
0x29: {  	[sflag:s20] =	ssyncadd.s32 $0xFFFFC000  }
0x2a: {  	[spmem:s11] =	stream.linear.scatter [tilespmem:s21], [sflag:$0x2], $0x4000, $0x38;
	[tilespmem:$0x1F800] =	vst v63  }
0x2b: {  	_ =	swait.ge [sflag:s20], $0x4000  }
0x2c: {  	[sflag:s20] =	ssyncset.done $0x0  }
0x2d: {  	[sflag:s20] =	ssyncadd.s32 $0xFFFFC000  }
0x2e: {  	[spmem:s12] =	stream.linear.scatter [tilespmem:s21], [sflag:$0x2], $0x4000, $0x38;
	[tilespmem:$0x1F800] =	vst v63  }
0x2f: {  	_ =	swait.ge [sflag:s20], $0x4000  }
0x30: {  	[sflag:s20] =	ssyncset.done $0x0  }
0x31: {  	[sflag:s20] =	ssyncadd.s32 $0xFFFFC000  }
0x32: {  	[bflag:$0x0] =	sbarrier.arrive $0xFFFF  }
0x33: {  	[tilespmem:s21], [sflag:$0x1] =	stream.indirect.gather [hbm4b:s4+s22], $0x80, s3, s22, $0xb8;
	[tilespmem:$0x1F800] =	vst v63  }
0x34: {  	p0 =	sne.s32 s13, $0x1;
	_ =	swait.ge [sflag:s23], $0x4000  }
.Ltmp0:
0x35: {  	[sflag:s23] =	ssyncset.done $0x0;
	(pc) =	sbr.rel @!p0 .LBB2_3-.Ltmp0, $4  }
0x36: {  	[sflag:s23] =	ssyncadd.s32 $0xFFFFC000  }
0x37: {  	[spmem:s2] =	stream.indirect.scatter.add.f32 [tilespmem:s21], [sflag:$0x2], $0x80, s25, s22, $0xb8;
	[tilespmem:$0x1F800] =	vst v63  }
0x38: {  	_ =	swait.ge [sflag:s20], $0x4000  }
0x39: {  	s26 =	sadd.s32 $0xFFFFFFFF, s13;
	s28 =	simm.s32 $0x0;
	[sflag:s20] =	ssyncset.done $0x0  }
.LBB2_2:
0x3a: {  	[sflag:s20] =	ssyncadd.s32 $0xFFFFC000;
	s28 =	sadd.s32 $0x80, s28;
	s25 =	sadd.s32 $0x80, s25  }
0x3b: {  	[tilespmem:s21], [sflag:$0x1] =	stream.indirect.gather [hbm4b:s4+s22], $0x80, s28, s22, $0xb8;
	[tilespmem:$0x1F800] =	vst v63  }
0x3c: {  	p0 =	sne.s32 s26, $0x1;
	s26 =	sadd.s32 $0xFFFFFFFF, s26;
	_ =	swait.ge [sflag:s23], $0x4000  }
.Ltmp1:
0x3d: {  	[sflag:s23] =	ssyncset.done $0x0;
	(pc) =	sbr.rel @p0 .LBB2_2-.Ltmp1, $4  }
0x3e: {  	[sflag:s23] =	ssyncadd.s32 $0xFFFFC000  }
0x3f: {  	[spmem:s2] =	stream.indirect.scatter.add.f32 [tilespmem:s21], [sflag:$0x2], $0x80, s25, s22, $0xb8;
	[tilespmem:$0x1F800] =	vst v63  }
0x40: {  	_ =	swait.ge [sflag:s20], $0x4000  }
0x41: {  	[sflag:s20] =	ssyncset.done $0x0  }
.LBB2_3:
0x42: {  	[sflag:s20] =	ssyncadd.s32 $0xFFFFC000  }
0x43: {  	[bflag:$0x0] =	sbarrier.arrive $0xFFFF  }
0x44: {  	[tilespmem:s21], [sflag:$0x2] =	stream.linear.gather [spmem:s8], $0x4000, $0x38;
	[tilespmem:$0x1F800] =	vst v63  }
0x45: {  	_ =	swait.ge [sflag:s20], $0x4000  }
0x46: {  	[sflag:s20] =	ssyncset.done $0x0  }
0x47: {  	[sflag:s20] =	ssyncadd.s32 $0xFFFFC000  }
0x48: {  	[hbm4b:s14+s3] =	stream.linear.scatter [tilespmem:s21], [sflag:$0x2], $0x4000, $0x38;
	[tilespmem:$0x1F800] =	vst v63  }
0x49: {  	_ =	swait.ge [sflag:s20], $0x4000  }
0x4a: {  	[sflag:s20] =	ssyncset.done $0x0  }
0x4b: {  	[sflag:s20] =	ssyncadd.s32 $0xFFFFC000  }
0x4c: {  	[tilespmem:s21], [sflag:$0x2] =	stream.linear.gather [spmem:s9], $0x4000, $0x38;
	[tilespmem:$0x1F800] =	vst v63  }
0x4d: {  	_ =	swait.ge [sflag:s20], $0x4000  }
0x4e: {  	[sflag:s20] =	ssyncset.done $0x0  }
0x4f: {  	[sflag:s20] =	ssyncadd.s32 $0xFFFFC000  }
0x50: {  	[hbm4b:s15+s3] =	stream.linear.scatter [tilespmem:s21], [sflag:$0x2], $0x4000, $0x38;
	[tilespmem:$0x1F800] =	vst v63  }
0x51: {  	_ =	swait.ge [sflag:s20], $0x4000  }
0x52: {  	[sflag:s20] =	ssyncset.done $0x0  }
0x53: {  	[sflag:s20] =	ssyncadd.s32 $0xFFFFC000  }
0x54: {  	[tilespmem:s21], [sflag:$0x2] =	stream.linear.gather [spmem:s10], $0x4000, $0x38;
	[tilespmem:$0x1F800] =	vst v63  }
0x55: {  	_ =	swait.ge [sflag:s20], $0x4000  }
0x56: {  	[sflag:s20] =	ssyncset.done $0x0  }
0x57: {  	[sflag:s20] =	ssyncadd.s32 $0xFFFFC000  }
0x58: {  	[hbm4b:s16+s3] =	stream.linear.scatter [tilespmem:s21], [sflag:$0x2], $0x4000, $0x38;
	[tilespmem:$0x1F800] =	vst v63  }
0x59: {  	_ =	swait.ge [sflag:s20], $0x4000  }
0x5a: {  	[sflag:s20] =	ssyncset.done $0x0  }
0x5b: {  	[sflag:s20] =	ssyncadd.s32 $0xFFFFC000  }
0x5c: {  	[tilespmem:s21], [sflag:$0x2] =	stream.linear.gather [spmem:s11], $0x4000, $0x38;
	[tilespmem:$0x1F800] =	vst v63  }
0x5d: {  	_ =	swait.ge [sflag:s20], $0x4000  }
0x5e: {  	[sflag:s20] =	ssyncset.done $0x0  }
0x5f: {  	[sflag:s20] =	ssyncadd.s32 $0xFFFFC000  }
0x60: {  	[hbm4b:s17+s3] =	stream.linear.scatter [tilespmem:s21], [sflag:$0x2], $0x4000, $0x38;
	[tilespmem:$0x1F800] =	vst v63  }
0x61: {  	_ =	swait.ge [sflag:s20], $0x4000  }
0x62: {  	[sflag:s20] =	ssyncset.done $0x0  }
0x63: {  	[sflag:s20] =	ssyncadd.s32 $0xFFFFC000  }
0x64: {  	[tilespmem:s21], [sflag:$0x2] =	stream.linear.gather [spmem:s12], $0x4000, $0x38;
	[tilespmem:$0x1F800] =	vst v63  }
0x65: {  	s24 =	sadd.s32 $0x1, s24;
	_ =	swait.ge [sflag:s20], $0x4000  }
0x66: {  	p0 =	sne.s32 s24, s19;
	[sflag:s20] =	ssyncset.done $0x0  }
.Ltmp2:
0x67: {  	[sflag:s20] =	ssyncadd.s32 $0xFFFFC000;
	(pc) =	sbr.rel @p0 .LBB2_1-.Ltmp2, $4  }
0x68: {  	[hbm4b:s18+s3] =	stream.linear.scatter [tilespmem:s21], [sflag:$0x2], $0x4000, $0x38;
	[tilespmem:$0x1F800] =	vst v63  }
0x69: {  	_ =	swait.ge [sflag:s20], $0x4000  }
0x6a: {  	[sflag:s20] =	ssyncset.done $0x0  }
0x6b: {  	[sflag:s20] =	ssyncadd.s32 $0xFFFFC000  }
0x6c: {  	_ =	sfence.sel $0x180000  }
0x6d: {  	[bflag:$0x0] =	sbarrier.arrive $0xFFFF  }
0x6e: {  	p0 =	sne.s32 s0, $0x0;
	_ =	strace $0x9000004A  }
0x6f: {  	s0 =	sadd.s32 @!p0 $0x100000, s1;
	[bflag:$0x2] =	sbarrier.arrive $0xFFFF  }
0x70: {  	[sflag:s0] =	ssyncadd.tile.s32 @!p0 $0x1;
	_ =	shalt  }
.Lfunc_end2:
_tile_overlayer_lowered:
.L_overlay_start_2:
0x71: {  	(tag) =	ssettag $0x2  }
0x72: {  	s0 =	rddreg [dreg:$0x0];
	s2 =	stileid.u32  }
0x73: {  	s1 =	rddreg [dreg:$0x1];
	p0 =	sne.s32 s2, $0x0  }
0x74: {  	s3 =	rddreg [dreg:$0x2];
	[bflag:$0x3] =	sbarrier.arrive $0xFFFF;
	s2 =	simm.s32 @!p0 $0x1C02  }
0x75: {  	[timem:s3], [sflag:s2] =	dma.local @!p0 [hbm:s0], s1  }
0x76: {  	s0 =	simm.s32 @!p0 $0x2  }
0x77: {  	_ =	swait.ge @!p0 [sflag:s0], s1  }
0x78: {  	s1 =	ssub.s32 @!p0 $0x0, s1;
	[sflag:s0] =	ssyncset.done @!p0 $0x0  }
0x79: {  	[sflag:s0] =	ssyncadd.s32 @!p0 s1  }
0x7a: {  	[bflag:$0x3] =	sbarrier.arrive $0xFFFF  }
0x7b: {  	_ =	shalt  }

// kernel: kernel.14.cloned.1.call-start
scs
__scs_entry_jumppad:
0x0: {  	(pc) =	sbr.rel $0x88, $3  }
0x1: {  	(tag) =	ssettag $0x0;
	lr =	simm.s32 $0x1  }
0x2: {  	[smem:$0x3F9B] =	sst lr;
	_ =	strace $0xD0000000  }
0x3: {  	_ = 	snop  }
0x4: {  	_ = 	snop  }
0x5: {  	_ = 	snop  }
0x6: {  	_ = 	snop  }
0x7: {  	_ = 	snop  }
__scs_overlays_trampoline_lowered:
0x8: {  	[smem:$0x3FAA] =	sst s0  }
0x9: {  	[smem:$0x3FAB] =	sst s1  }
0xa: {  	[smem:$0x3FAC] =	sst s2  }
0xb: {  	[smem:$0x3FAD] =	sst s3  }
0xc: {  	[smem:$0x3FAE] =	sst s4  }
0xd: {  	[smem:$0x3FAF] =	sst s5  }
0xe: {  	[smem:$0x3FB0] =	sst s6  }
0xf: {  	[smem:$0x3FB1] =	sst s7  }
0x10: {  	[smem:$0x3FB2] =	sst s8  }
0x11: {  	[smem:$0x3FB3] =	sst s9;
	s0 =	simm.s32 @!p0 $0x0  }
0x12: {  	s1 =	sld [smem:$0x3F99];
	s0 =	simm.s32 @p0 $0x1  }
0x13: {  	[smem:$0x3FB4] =	sst s0;
	s0 =	simm.s32 @!p1 $0x0  }
0x14: {  	s2 =	sld [smem:$0x3F98];
	s0 =	simm.s32 @p1 $0x1  }
0x15: {  	[smem:$0x3FB5] =	sst s0;
	s0 =	simm.s32 @!p2 $0x0  }
0x16: {  	s3 =	sld [smem:$0x3FDB];
	s0 =	simm.s32 @p2 $0x1  }
0x17: {  	s4 =	simm.s32 $0x1BF5;
	[smem:$0x3FB7] =	sst s0  }
0x18: {  	s0 =	sld [smem:$0x3F9A];
	_ =	swait.ge [sflag:s4], $0x0  }
0x19: {  	s7 =	sld [smem:$0x3F9B]  }
0x1a: {  	s8 =	sadd.s32 $0xFFFFE003, lr  }
0x1b: {  	s9 =	sadd.s32 $0xFFFFFEF7, lr;
	s5 =	simm.s32 $0xFFFFFFFF;
	p2 =	slt.u32 s8, $0xFFFFF086  }
0x1c: {  	p1 =	slt.u32 s9, $0xF7A;
	s5 =	simm.s32 @!p2 $0x0  }
0x1d: {  	s5 =	simm.s32 @p1 $0x1;
	p0 =	seq.s32 s7, s2  }
0x1e: {  	s7 =	smul.u32 @!p0 $0xF7A, s2;
	p2 =	seq.s32 @!p0 s5, $0x0  }
0x1f: {  	s9 =	smul.u32 $0xF7A, s1;
	s8 =	simm.s32 @!p0 $0x1BF5;
	p2 =	por !p2, p0  }
0x20: {  	[sflag:s8] =	ssyncset.s32 @!p0 $0xFFFFF086;
	s6 =	sadd.s32 @!p0 s3, s7;
	s7 =	simm.s32 @!p0 $0x108  }
0x21: {  	s3 =	sadd.s32 s3, s9;
	s6 =	sadd.s32 @!p0 $0x88, s6;
	s7 =	simm.s32 @p2 $0x1082  }
0x22: {  	[simem:s7], [sflag:s8] =	dma.local @!p0 [hbm:s6], $0xF7A  }
0x23: {  	s9 =	sor.u32 $0xD0000000, s2;
	s6 =	simm.s32 $0x108;
	_ =	swait.ge @!p0 [sflag:s8], $0x0  }
0x24: {  	s3 =	sadd.s32 $0x88, s3;
	s6 =	simm.s32 @!p1 $0x1082;
	[sflag:s4] =	ssyncset.s32 $0xFFFFF086  }
0x25: {  	[simem:s6], [sflag:s4] =	dma.local [hbm:s3], $0xF7A  }
0x26: {  	[smem:$0x3F9B] =	sst s1;
	(tag) =	ssettag s2;
	_ =	strace s9  }
0x27: {  	s1 =	sld [smem:$0x3FAB]  }
0x28: {  	s2 =	sld [smem:$0x3FAC]  }
0x29: {  	s4 =	sld [smem:$0x3FAE]  }
0x2a: {  	p0 =	seq.s32 s5, $0x0;
	s5 =	sld [smem:$0x3FAF]  }
0x2b: {  	s6 =	sld [smem:$0x3FB0]  }
0x2c: {  	s7 =	sld [smem:$0x3FB1]  }
0x2d: {  	s3 =	simm.s32 $0x108;
	s8 =	sld [smem:$0x3FB2]  }
0x2e: {  	s3 =	simm.s32 @!p0 $0x1082;
	s9 =	sld [smem:$0x3FB3]  }
0x2f: {  	lr =	sadd.s32 s0, s3;
	s0 =	sld [smem:$0x3FAA]  }
0x30: {  	s3 =	sld [smem:$0x3FAD]  }
0x31: {  	[smem:$0x3FB6] =	sst s10  }
0x32: {  	s10 =	sld [smem:$0x3FB4];
	_ =	sdelay $0x3  }
0x33: {  	p0 =	seq.s32 s10, $0x1;
	s10 =	sld [smem:$0x3FB6];
	_ =	sdelay $0x3  }
0x34: {  	[smem:$0x3FB6] =	sst s10  }
0x35: {  	s10 =	sld [smem:$0x3FB5];
	_ =	sdelay $0x3  }
0x36: {  	p1 =	seq.s32 s10, $0x1;
	s10 =	sld [smem:$0x3FB6];
	_ =	sdelay $0x3  }
0x37: {  	[smem:$0x3FB6] =	sst s10  }
0x38: {  	s10 =	sld [smem:$0x3FB7]  }
0x39: {  	_ = 	snop;
	(pc) =	sbr.ind lr, $3  }
0x3a: {  	_ = 	snop  }
0x3b: {  	_ = 	snop  }
0x3c: {  	p2 =	seq.s32 s10, $0x1;
	s10 =	sld [smem:$0x3FB6]  }
0x3d: {  	_ =	shalt  }
0x3e: {  	_ =	shalt  }
0x3f: {  	_ =	shalt  }
0x40: {  	_ =	shalt  }
0x41: {  	_ =	shalt  }
0x42: {  	_ =	shalt  }
0x43: {  	_ =	shalt  }
0x44: {  	_ =	shalt  }
0x45: {  	_ =	shalt  }
0x46: {  	_ =	shalt  }
0x47: {  	_ =	shalt  }
0x48: {  	_ =	shalt  }
0x49: {  	_ =	shalt  }
0x4a: {  	_ =	shalt  }
0x4b: {  	_ =	shalt  }
0x4c: {  	_ =	shalt  }
0x4d: {  	_ =	shalt  }
0x4e: {  	_ =	shalt  }
0x4f: {  	_ =	shalt  }
0x50: {  	_ =	shalt  }
0x51: {  	_ =	shalt  }
0x52: {  	_ =	shalt  }
0x53: {  	_ =	shalt  }
0x54: {  	_ =	shalt  }
0x55: {  	_ =	shalt  }
0x56: {  	_ =	shalt  }
0x57: {  	_ =	shalt  }
0x58: {  	_ =	shalt  }
0x59: {  	_ =	shalt  }
0x5a: {  	_ =	shalt  }
0x5b: {  	_ =	shalt  }
0x5c: {  	_ =	shalt  }
0x5d: {  	_ =	shalt  }
0x5e: {  	_ =	shalt  }
0x5f: {  	_ =	shalt  }
0x60: {  	_ =	shalt  }
0x61: {  	_ =	shalt  }
0x62: {  	_ =	shalt  }
0x63: {  	_ =	shalt  }
0x64: {  	_ =	shalt  }
0x65: {  	_ =	shalt  }
0x66: {  	_ =	shalt  }
0x67: {  	_ =	shalt  }
0x68: {  	_ =	shalt  }
0x69: {  	_ =	shalt  }
0x6a: {  	_ =	shalt  }
0x6b: {  	_ =	shalt  }
0x6c: {  	_ =	shalt  }
0x6d: {  	_ =	shalt  }
0x6e: {  	_ =	shalt  }
0x6f: {  	_ =	shalt  }
0x70: {  	_ =	shalt  }
0x71: {  	_ =	shalt  }
0x72: {  	_ =	shalt  }
0x73: {  	_ =	shalt  }
0x74: {  	_ =	shalt  }
0x75: {  	_ =	shalt  }
0x76: {  	_ =	shalt  }
0x77: {  	_ =	shalt  }
0x78: {  	_ =	shalt  }
0x79: {  	_ =	shalt  }
0x7a: {  	_ =	shalt  }
0x7b: {  	_ =	shalt  }
0x7c: {  	_ =	shalt  }
0x7d: {  	_ =	shalt  }
0x7e: {  	_ =	shalt  }
0x7f: {  	_ =	shalt  }
0x80: {  	_ =	shalt  }
0x81: {  	_ =	shalt  }
0x82: {  	_ =	shalt  }
0x83: {  	_ =	shalt  }
0x84: {  	_ =	shalt  }
0x85: {  	_ =	shalt  }
0x86: {  	_ =	shalt  }
0x87: {  	_ =	shalt  }
.Lfunc_end0:
.L_simem_size_0:
called_computation.2_lowered:
.L_overlay_start_0:
0x88: {  	s2 =	sld [smem:$0x3FD9]  }
0x89: {  	s3 =	sld [smem:$0x3FFE];
	_ =	sdelay $0x1  }
0x8a: {  	s1 =	srdreg.scid  }
0x8b: {  	s0 =	sand.u32 $0x1, s1  }
0x8c: {  	s17 =	sshll.u32 s0, $0xA;
	s2 =	sadd.s32 s3, s2  }
0x8d: {  	s2 =	sadd.s32 s2, s17  }
0x8e: {  	[smem:$0x3FC2] =	sst s2  }
0x8f: {  	_ = 	snop  }
0x90: {  	s2 =	sld [smem:$0x3FD0];
	(tm) =	ssettm $0x1  }
0x91: {  	s18 =	sld [smem:$0x3FFB];
	_ =	sdelay $0x3  }
0x92: {  	_ =	strace s18  }
0x93: {  	s3 =	sld [smem:$0x3FFC];
	_ =	sdelay $0x3  }
0x94: {  	_ =	strace s3  }
0x95: {  	s3 =	sld [smem:$0x3FFD];
	_ =	sdelay $0x3  }
0x96: {  	_ =	strace s3  }
0x97: {  	_ =	strace $0x8FFFFFFF  }
0x98: {  	s19 =	sld [smem:$0x3FDB];
	_ =	sdelay $0x1  }
0x99: {  	s4 =	simm.s32 $_scs_section_size  }
0x9a: {  	s5 =	simm.s32 $_size__tile_overlayer_lowered;
	s6 =	simm.s32 $_tile_overlayer_lowered  }
0x9b: {  	s22 =	simm.s32 $0x1BFF;
	s21 =	sshll.u32 s6, $0x1;
	s3 =	sadd.s32 s4, s19  }
0x9c: {  	s7 =	simm.s32 $0x0;
	s20 =	sshll.u32 s5, $0x1;
	s5 =	sadd.s32 s21, s3  }
0x9d: {  	[timem:s7], [sflag:s22] =	dma.local [hbm:s5], s20  }
0x9e: {  	_ =	swait.ge [sflag:s22], s20  }
0x9f: {  	s4 =	ssub.s32 $0x0, s20;
	[sflag:s22] =	ssyncset.done $0x0  }
0xa0: {  	[sflag:s22] =	ssyncadd.s32 s4;
	_ =	sdelay $0x1  }
0xa1: {  	s23 =	simm.s32 $0x1B8B  }
0xa2: {  	_ =	swait.ge [sflag:s23], $0x1  }
0xa3: {  	[sflag:s23] =	ssyncset.done $0x0  }
0xa4: {  	s25 =	simm.s32 $0x1B8E;
	s24 =	sld [smem:$0x3FFE];
	[sflag:s23] =	ssyncadd.s32 $0xFFFFFFFF  }
0xa5: {  	s26 =	simm.s32 $execute0_lowered;
	[smem:$0x3FD2] =	sst s25  }
0xa6: {  	s5 =	sshll.u32 s26, $0x1;
	_ =	strace $0x8000004C;
	[dreg:$0x1] =	wrdreg $0xFFFFFFFF  }
0xa7: {  	s28 =	simm.s32 $_size_execute0_lowered;
	s3 =	sadd.s32 s3, s5;
	[dreg:$0x0] =	wrdreg $0x0  }
0xa8: {  	s5 =	sshll.u32 s28, $0x1;
	[dreg:$0x2] =	wrdreg s3  }
0xa9: {  	[dreg:$0x3] =	wrdreg s5  }
0xaa: {  	[dreg:$0x4] =	wrdreg $0xC0  }
0xab: {  	_ =	task [dreg:s7], $0x5FFFF  }
0xac: {  	[dreg:$0x1] =	wrdreg $0xFFFFFFFF  }
0xad: {  	[dreg:$0x0] =	wrdreg $0x60  }
0xae: {  	[dreg:$0x2] =	wrdreg s24  }
0xaf: {  	[dreg:$0x3] =	wrdreg s2  }
0xb0: {  	[dreg:$0x4] =	wrdreg $0xB8000  }
0xb1: {  	[dreg:$0x5] =	wrdreg $0x9  }
0xb2: {  	_ =	task.clear_ibuf [dreg:s7], $0x6FFFF;
	_ =	strace $0x9000004C  }
0xb3: {  	s29 =	simm.s32 $0x9;
	_ =	strace $0x8000004E  }
0xb4: {  	_ =	swait.ge [sflag:s29], $0x1  }
0xb5: {  	[sflag:s29] =	ssyncadd.s32 $0xFFFFFFFF  }
0xb6: {  	_ =	strace $0x9000004E  }
0xb7: {  	_ =	sfence  }
0xb8: {  	s30 =	sld [smem:$0x0];
	_ =	sdelay $0x2  }
0xb9: {  	s31 =	sshll.u32 s1, $0xD;
	s1 =	sshrl.u32 s1, $0x2  }
0xba: {  	s3 =	sand.u32 $0x4000, s31;
	s1 =	sadd.s32 s1, s30  }
0xbb: {  	s0 =	sor.u32 s3, s0;
	s1 =	sshll.u32 s1, $0x11  }
0xbc: {  	s0 =	sor.u32 s1, s0  }
0xbd: {  	s0 =	sadd.s32 $0x8F2B, s0  }
0xbe: {  	[sflag:s0] =	ssyncadd.remote.s32 $0x1  }
0xbf: {  	_ =	sfence.sel $0xFFFF  }
0xc0: {  	[dreg:$0x0] =	wrdreg $0xFFFFFFFF;
	(pc) =	sbr.abs _section_cstart, $3  }
0xc1: {  	[dreg:$0x1] =	wrdreg $0xFFFFFFFF  }
0xc2: {  	_ =	task.clear_ibuf [dreg:s7], $0x2FFFF;
	_ =	strace $0x9FFFFFFF  }
0xc3: {  	(tm) =	ssettm $0x7FFFFFFF  }
tec
execute0_lowered:
.L_overlay_start_1:
0x0: {  	(tag) =	ssettag $0x1  }
0x1: {  	s6 =	rddreg [dreg:$0x0]  }
0x2: {  	s7 =	rddreg [dreg:$0x1]  }
0x3: {  	s0 =	srdreg.scid;
	s2 =	rddreg [dreg:$0x2];
	s3 =	simm.s32 $0x0  }
0x4: {  	s20 =	simm.s32 $0x2;
	s21 =	simm.s32 $0x7800;
	s22 =	simm.s32 $0x80  }
0x5: {  	s23 =	simm.s32 $0x1;
	s13 =	sand.u32 $0x1, s0;
	s0 =	stileid.u32  }
0x6: {  	s24 =	simm.s32 $0x0;
	[smem:$0x7FF] =	sst s3;
	s5 =	smul.u32 $0x280, s0  }
0x7: {  	s4 =	sadd.s32 $0xDA00, s6;
	s1 =	sshll.u32 s13, $0x4;
	s9 =	smul.u32 $0x2800, s13  }
0x8: {  	s11 =	ssub.s32 $0x2, s13;
	s12 =	smul.u32 $0x50000, s0;
	p0 =	seq.s32 s13, $0x0  }
0x9: {  	s13 =	simm.s32 $0x78;
	s1 =	sor.u32 s0, s1;
	s14 =	sshrl.u32 s11, $0x1  }
0xa: {  	s13 =	simm.s32 @!p0 $0x28;
	s8 =	smul.u32 $0x780, s1;
	s1 =	rddreg [dreg:$0x3]  }
0xb: {  	_ =	strace $0x8000004D;
	s9 =	sadd.s32 s5, s9;
	s5 =	sadd.s32 $0xD200, s6  }
0xc: {  	s19 =	ssub.s32 s11, s14;
	s31 =	sshrl.u32 s12, $0x2;
	s9 =	sshll.u32 s9, $0x4  }
0xd: {  	s19 =	smax.u32 s19, $0x1;
	s10 =	sadd.s32 s8, s6;
	s18 =	sadd.s32 s9, s6  }
0xe: {  	s7 =	sadd.s32 s7, s8;
	s8 =	sadd.s32 s31, s2;
	s6 =	sadd.s32 $0x5E200, s10  }
0xf: {  	s9 =	sadd.s32 $0x4000, s8;
	s10 =	sadd.s32 $0x8000, s8;
	s11 =	sadd.s32 $0xC000, s8  }
0x10: {  	s12 =	sadd.s32 $0x10000, s8;
	s14 =	sadd.s32 $0x6D200, s18;
	s15 =	sadd.s32 $0x6DA00, s18  }
0x11: {  	s16 =	sadd.s32 $0x6E200, s18;
	s17 =	sadd.s32 $0x6EA00, s18;
	s18 =	sadd.s32 $0x6F200, s18  }
.LBB2_1:
0x12: {  	[tilespmem:s3], [sflag:$0x2] =	stream.linear.gather [hbm4b:s6+s3], $0x3C00, $0x38;
	[tilespmem:$0x1F800] =	vst v63  }
0x13: {  	_ =	swait.ge [sflag:s20], $0x3C00  }
0x14: {  	[sflag:s20] =	ssyncset.done $0x0  }
0x15: {  	s25 =	simm.s32 $0x3C00;
	[sflag:s20] =	ssyncadd.s32 $0xFFFFC400  }
0x16: {  	[tilespmem:s25], [sflag:$0x2] =	stream.linear.gather [hbm4b:s7+s3], $0x3C00, $0x38;
	[tilespmem:$0x1F800] =	vst v63  }
0x17: {  	_ =	swait.ge [sflag:s20], $0x3C00  }
0x18: {  	[sflag:s20] =	ssyncset.done $0x0  }
0x19: {  	[sflag:s20] =	ssyncadd.s32 $0xFFFFC400  }
0x1a: {  	[tilespmem:s21], [sflag:$0x2] =	stream.linear.gather [hbm4b:s5+s3], $0x4000, $0x38;
	[tilespmem:$0x1F800] =	vst v63  }
0x1b: {  	_ =	swait.ge [sflag:s20], $0x4000  }
0x1c: {  	[sflag:s20] =	ssyncset.done $0x0  }
0x1d: {  	[sflag:s20] =	ssyncadd.s32 $0xFFFFC000  }
0x1e: {  	[spmem:s8] =	stream.linear.scatter [tilespmem:s21], [sflag:$0x2], $0x4000, $0x38;
	[tilespmem:$0x1F800] =	vst v63  }
0x1f: {  	_ =	swait.ge [sflag:s20], $0x4000  }
0x20: {  	[sflag:s20] =	ssyncset.done $0x0  }
0x21: {  	[sflag:s20] =	ssyncadd.s32 $0xFFFFC000  }
0x22: {  	[spmem:s9] =	stream.linear.scatter [tilespmem:s21], [sflag:$0x2], $0x4000, $0x38;
	[tilespmem:$0x1F800] =	vst v63  }
0x23: {  	_ =	swait.ge [sflag:s20], $0x4000  }
0x24: {  	[sflag:s20] =	ssyncset.done $0x0  }
0x25: {  	[sflag:s20] =	ssyncadd.s32 $0xFFFFC000  }
0x26: {  	[spmem:s10] =	stream.linear.scatter [tilespmem:s21], [sflag:$0x2], $0x4000, $0x38;
	[tilespmem:$0x1F800] =	vst v63  }
0x27: {  	_ =	swait.ge [sflag:s20], $0x4000  }
0x28: {  	[sflag:s20] =	ssyncset.done $0x0  }
0x29: {  	[sflag:s20] =	ssyncadd.s32 $0xFFFFC000  }
0x2a: {  	[spmem:s11] =	stream.linear.scatter [tilespmem:s21], [sflag:$0x2], $0x4000, $0x38;
	[tilespmem:$0x1F800] =	vst v63  }
0x2b: {  	_ =	swait.ge [sflag:s20], $0x4000  }
0x2c: {  	[sflag:s20] =	ssyncset.done $0x0  }
0x2d: {  	[sflag:s20] =	ssyncadd.s32 $0xFFFFC000  }
0x2e: {  	[spmem:s12] =	stream.linear.scatter [tilespmem:s21], [sflag:$0x2], $0x4000, $0x38;
	[tilespmem:$0x1F800] =	vst v63  }
0x2f: {  	_ =	swait.ge [sflag:s20], $0x4000  }
0x30: {  	[sflag:s20] =	ssyncset.done $0x0  }
0x31: {  	[sflag:s20] =	ssyncadd.s32 $0xFFFFC000  }
0x32: {  	[bflag:$0x0] =	sbarrier.arrive $0xFFFF  }
0x33: {  	[tilespmem:s21], [sflag:$0x1] =	stream.indirect.gather [hbm4b:s4+s22], $0x80, s3, s22, $0xb8;
	[tilespmem:$0x1F800] =	vst v63  }
0x34: {  	p0 =	sne.s32 s13, $0x1;
	_ =	swait.ge [sflag:s23], $0x4000  }
.Ltmp0:
0x35: {  	[sflag:s23] =	ssyncset.done $0x0;
	(pc) =	sbr.rel @!p0 .LBB2_3-.Ltmp0, $4  }
0x36: {  	[sflag:s23] =	ssyncadd.s32 $0xFFFFC000  }
0x37: {  	[spmem:s2] =	stream.indirect.scatter.add.f32 [tilespmem:s21], [sflag:$0x2], $0x80, s25, s22, $0xb8;
	[tilespmem:$0x1F800] =	vst v63  }
0x38: {  	_ =	swait.ge [sflag:s20], $0x4000  }
0x39: {  	s26 =	sadd.s32 $0xFFFFFFFF, s13;
	s28 =	simm.s32 $0x0;
	[sflag:s20] =	ssyncset.done $0x0  }
.LBB2_2:
0x3a: {  	[sflag:s20] =	ssyncadd.s32 $0xFFFFC000;
	s28 =	sadd.s32 $0x80, s28;
	s25 =	sadd.s32 $0x80, s25  }
0x3b: {  	[tilespmem:s21], [sflag:$0x1] =	stream.indirect.gather [hbm4b:s4+s22], $0x80, s28, s22, $0xb8;
	[tilespmem:$0x1F800] =	vst v63  }
0x3c: {  	p0 =	sne.s32 s26, $0x1;
	s26 =	sadd.s32 $0xFFFFFFFF, s26;
	_ =	swait.ge [sflag:s23], $0x4000  }
.Ltmp1:
0x3d: {  	[sflag:s23] =	ssyncset.done $0x0;
	(pc) =	sbr.rel @p0 .LBB2_2-.Ltmp1, $4  }
0x3e: {  	[sflag:s23] =	ssyncadd.s32 $0xFFFFC000  }
0x3f: {  	[spmem:s2] =	stream.indirect.scatter.add.f32 [tilespmem:s21], [sflag:$0x2], $0x80, s25, s22, $0xb8;
	[tilespmem:$0x1F800] =	vst v63  }
0x40: {  	_ =	swait.ge [sflag:s20], $0x4000  }
0x41: {  	[sflag:s20] =	ssyncset.done $0x0  }
.LBB2_3:
0x42: {  	[sflag:s20] =	ssyncadd.s32 $0xFFFFC000  }
0x43: {  	[bflag:$0x0] =	sbarrier.arrive $0xFFFF  }
0x44: {  	[tilespmem:s21], [sflag:$0x2] =	stream.linear.gather [spmem:s8], $0x4000, $0x38;
	[tilespmem:$0x1F800] =	vst v63  }
0x45: {  	_ =	swait.ge [sflag:s20], $0x4000  }
0x46: {  	[sflag:s20] =	ssyncset.done $0x0  }
0x47: {  	[sflag:s20] =	ssyncadd.s32 $0xFFFFC000  }
0x48: {  	[hbm4b:s14+s3] =	stream.linear.scatter [tilespmem:s21], [sflag:$0x2], $0x4000, $0x38;
	[tilespmem:$0x1F800] =	vst v63  }
0x49: {  	_ =	swait.ge [sflag:s20], $0x4000  }
0x4a: {  	[sflag:s20] =	ssyncset.done $0x0  }
0x4b: {  	[sflag:s20] =	ssyncadd.s32 $0xFFFFC000  }
0x4c: {  	[tilespmem:s21], [sflag:$0x2] =	stream.linear.gather [spmem:s9], $0x4000, $0x38;
	[tilespmem:$0x1F800] =	vst v63  }
0x4d: {  	_ =	swait.ge [sflag:s20], $0x4000  }
0x4e: {  	[sflag:s20] =	ssyncset.done $0x0  }
0x4f: {  	[sflag:s20] =	ssyncadd.s32 $0xFFFFC000  }
0x50: {  	[hbm4b:s15+s3] =	stream.linear.scatter [tilespmem:s21], [sflag:$0x2], $0x4000, $0x38;
	[tilespmem:$0x1F800] =	vst v63  }
0x51: {  	_ =	swait.ge [sflag:s20], $0x4000  }
0x52: {  	[sflag:s20] =	ssyncset.done $0x0  }
0x53: {  	[sflag:s20] =	ssyncadd.s32 $0xFFFFC000  }
0x54: {  	[tilespmem:s21], [sflag:$0x2] =	stream.linear.gather [spmem:s10], $0x4000, $0x38;
	[tilespmem:$0x1F800] =	vst v63  }
0x55: {  	_ =	swait.ge [sflag:s20], $0x4000  }
0x56: {  	[sflag:s20] =	ssyncset.done $0x0  }
0x57: {  	[sflag:s20] =	ssyncadd.s32 $0xFFFFC000  }
0x58: {  	[hbm4b:s16+s3] =	stream.linear.scatter [tilespmem:s21], [sflag:$0x2], $0x4000, $0x38;
	[tilespmem:$0x1F800] =	vst v63  }
0x59: {  	_ =	swait.ge [sflag:s20], $0x4000  }
0x5a: {  	[sflag:s20] =	ssyncset.done $0x0  }
0x5b: {  	[sflag:s20] =	ssyncadd.s32 $0xFFFFC000  }
0x5c: {  	[tilespmem:s21], [sflag:$0x2] =	stream.linear.gather [spmem:s11], $0x4000, $0x38;
	[tilespmem:$0x1F800] =	vst v63  }
0x5d: {  	_ =	swait.ge [sflag:s20], $0x4000  }
0x5e: {  	[sflag:s20] =	ssyncset.done $0x0  }
0x5f: {  	[sflag:s20] =	ssyncadd.s32 $0xFFFFC000  }
0x60: {  	[hbm4b:s17+s3] =	stream.linear.scatter [tilespmem:s21], [sflag:$0x2], $0x4000, $0x38;
	[tilespmem:$0x1F800] =	vst v63  }
0x61: {  	_ =	swait.ge [sflag:s20], $0x4000  }
0x62: {  	[sflag:s20] =	ssyncset.done $0x0  }
0x63: {  	[sflag:s20] =	ssyncadd.s32 $0xFFFFC000  }
0x64: {  	[tilespmem:s21], [sflag:$0x2] =	stream.linear.gather [spmem:s12], $0x4000, $0x38;
	[tilespmem:$0x1F800] =	vst v63  }
0x65: {  	s24 =	sadd.s32 $0x1, s24;
	_ =	swait.ge [sflag:s20], $0x4000  }
0x66: {  	p0 =	sne.s32 s24, s19;
	[sflag:s20] =	ssyncset.done $0x0  }
.Ltmp2:
0x67: {  	[sflag:s20] =	ssyncadd.s32 $0xFFFFC000;
	(pc) =	sbr.rel @p0 .LBB2_1-.Ltmp2, $4  }
0x68: {  	[hbm4b:s18+s3] =	stream.linear.scatter [tilespmem:s21], [sflag:$0x2], $0x4000, $0x38;
	[tilespmem:$0x1F800] =	vst v63  }
0x69: {  	_ =	swait.ge [sflag:s20], $0x4000  }
0x6a: {  	[sflag:s20] =	ssyncset.done $0x0  }
0x6b: {  	[sflag:s20] =	ssyncadd.s32 $0xFFFFC000  }
0x6c: {  	_ =	sfence.sel $0x180000  }
0x6d: {  	[bflag:$0x0] =	sbarrier.arrive $0xFFFF  }
0x6e: {  	p0 =	sne.s32 s0, $0x0;
	_ =	strace $0x9000004D  }
0x6f: {  	s0 =	sadd.s32 @!p0 $0x100000, s1;
	[bflag:$0x2] =	sbarrier.arrive $0xFFFF  }
0x70: {  	[sflag:s0] =	ssyncadd.tile.s32 @!p0 $0x1;
	_ =	shalt  }
.Lfunc_end2:
_tile_overlayer_lowered:
.L_overlay_start_2:
0x71: {  	(tag) =	ssettag $0x2  }
0x72: {  	s0 =	rddreg [dreg:$0x0];
	s2 =	stileid.u32  }
0x73: {  	s1 =	rddreg [dreg:$0x1];
	p0 =	sne.s32 s2, $0x0  }
0x74: {  	s3 =	rddreg [dreg:$0x2];
	[bflag:$0x3] =	sbarrier.arrive $0xFFFF;
	s2 =	simm.s32 @!p0 $0x1C02  }
0x75: {  	[timem:s3], [sflag:s2] =	dma.local @!p0 [hbm:s0], s1  }
0x76: {  	s0 =	simm.s32 @!p0 $0x2  }
0x77: {  	_ =	swait.ge @!p0 [sflag:s0], s1  }
0x78: {  	s1 =	ssub.s32 @!p0 $0x0, s1;
	[sflag:s0] =	ssyncset.done @!p0 $0x0  }
0x79: {  	[sflag:s0] =	ssyncadd.s32 @!p0 s1  }
0x7a: {  	[bflag:$0x3] =	sbarrier.arrive $0xFFFF  }
0x7b: {  	_ =	shalt  }

// kernel: kernel.8.cloned.1.call-start
scs
__scs_entry_jumppad:
0x0: {  	(pc) =	sbr.rel $0x88, $3  }
0x1: {  	(tag) =	ssettag $0x0;
	lr =	simm.s32 $0x1  }
0x2: {  	[smem:$0x3F9B] =	sst lr;
	_ =	strace $0xD0000000  }
0x3: {  	_ = 	snop  }
0x4: {  	_ = 	snop  }
0x5: {  	_ = 	snop  }
0x6: {  	_ = 	snop  }
0x7: {  	_ = 	snop  }
__scs_overlays_trampoline_lowered:
0x8: {  	[smem:$0x3FAA] =	sst s0  }
0x9: {  	[smem:$0x3FAB] =	sst s1  }
0xa: {  	[smem:$0x3FAC] =	sst s2  }
0xb: {  	[smem:$0x3FAD] =	sst s3  }
0xc: {  	[smem:$0x3FAE] =	sst s4  }
0xd: {  	[smem:$0x3FAF] =	sst s5  }
0xe: {  	[smem:$0x3FB0] =	sst s6  }
0xf: {  	[smem:$0x3FB1] =	sst s7  }
0x10: {  	[smem:$0x3FB2] =	sst s8  }
0x11: {  	[smem:$0x3FB3] =	sst s9;
	s0 =	simm.s32 @!p0 $0x0  }
0x12: {  	s1 =	sld [smem:$0x3F99];
	s0 =	simm.s32 @p0 $0x1  }
0x13: {  	[smem:$0x3FB4] =	sst s0;
	s0 =	simm.s32 @!p1 $0x0  }
0x14: {  	s2 =	sld [smem:$0x3F98];
	s0 =	simm.s32 @p1 $0x1  }
0x15: {  	[smem:$0x3FB5] =	sst s0;
	s0 =	simm.s32 @!p2 $0x0  }
0x16: {  	s3 =	sld [smem:$0x3FDB];
	s0 =	simm.s32 @p2 $0x1  }
0x17: {  	s4 =	simm.s32 $0x1BF5;
	[smem:$0x3FB7] =	sst s0  }
0x18: {  	s0 =	sld [smem:$0x3F9A];
	_ =	swait.ge [sflag:s4], $0x0  }
0x19: {  	s7 =	sld [smem:$0x3F9B]  }
0x1a: {  	s8 =	sadd.s32 $0xFFFFE003, lr  }
0x1b: {  	s9 =	sadd.s32 $0xFFFFFEF7, lr;
	s5 =	simm.s32 $0xFFFFFFFF;
	p2 =	slt.u32 s8, $0xFFFFF086  }
0x1c: {  	p1 =	slt.u32 s9, $0xF7A;
	s5 =	simm.s32 @!p2 $0x0  }
0x1d: {  	s5 =	simm.s32 @p1 $0x1;
	p0 =	seq.s32 s7, s2  }
0x1e: {  	s7 =	smul.u32 @!p0 $0xF7A, s2;
	p2 =	seq.s32 @!p0 s5, $0x0  }
0x1f: {  	s9 =	smul.u32 $0xF7A, s1;
	s8 =	simm.s32 @!p0 $0x1BF5;
	p2 =	por !p2, p0  }
0x20: {  	[sflag:s8] =	ssyncset.s32 @!p0 $0xFFFFF086;
	s6 =	sadd.s32 @!p0 s3, s7;
	s7 =	simm.s32 @!p0 $0x108  }
0x21: {  	s3 =	sadd.s32 s3, s9;
	s6 =	sadd.s32 @!p0 $0x88, s6;
	s7 =	simm.s32 @p2 $0x1082  }
0x22: {  	[simem:s7], [sflag:s8] =	dma.local @!p0 [hbm:s6], $0xF7A  }
0x23: {  	s9 =	sor.u32 $0xD0000000, s2;
	s6 =	simm.s32 $0x108;
	_ =	swait.ge @!p0 [sflag:s8], $0x0  }
0x24: {  	s3 =	sadd.s32 $0x88, s3;
	s6 =	simm.s32 @!p1 $0x1082;
	[sflag:s4] =	ssyncset.s32 $0xFFFFF086  }
0x25: {  	[simem:s6], [sflag:s4] =	dma.local [hbm:s3], $0xF7A  }
0x26: {  	[smem:$0x3F9B] =	sst s1;
	(tag) =	ssettag s2;
	_ =	strace s9  }
0x27: {  	s1 =	sld [smem:$0x3FAB]  }
0x28: {  	s2 =	sld [smem:$0x3FAC]  }
0x29: {  	s4 =	sld [smem:$0x3FAE]  }
0x2a: {  	p0 =	seq.s32 s5, $0x0;
	s5 =	sld [smem:$0x3FAF]  }
0x2b: {  	s6 =	sld [smem:$0x3FB0]  }
0x2c: {  	s7 =	sld [smem:$0x3FB1]  }
0x2d: {  	s3 =	simm.s32 $0x108;
	s8 =	sld [smem:$0x3FB2]  }
0x2e: {  	s3 =	simm.s32 @!p0 $0x1082;
	s9 =	sld [smem:$0x3FB3]  }
0x2f: {  	lr =	sadd.s32 s0, s3;
	s0 =	sld [smem:$0x3FAA]  }
0x30: {  	s3 =	sld [smem:$0x3FAD]  }
0x31: {  	[smem:$0x3FB6] =	sst s10  }
0x32: {  	s10 =	sld [smem:$0x3FB4];
	_ =	sdelay $0x3  }
0x33: {  	p0 =	seq.s32 s10, $0x1;
	s10 =	sld [smem:$0x3FB6];
	_ =	sdelay $0x3  }
0x34: {  	[smem:$0x3FB6] =	sst s10  }
0x35: {  	s10 =	sld [smem:$0x3FB5];
	_ =	sdelay $0x3  }
0x36: {  	p1 =	seq.s32 s10, $0x1;
	s10 =	sld [smem:$0x3FB6];
	_ =	sdelay $0x3  }
0x37: {  	[smem:$0x3FB6] =	sst s10  }
0x38: {  	s10 =	sld [smem:$0x3FB7]  }
0x39: {  	_ = 	snop;
	(pc) =	sbr.ind lr, $3  }
0x3a: {  	_ = 	snop  }
0x3b: {  	_ = 	snop  }
0x3c: {  	p2 =	seq.s32 s10, $0x1;
	s10 =	sld [smem:$0x3FB6]  }
0x3d: {  	_ =	shalt  }
0x3e: {  	_ =	shalt  }
0x3f: {  	_ =	shalt  }
0x40: {  	_ =	shalt  }
0x41: {  	_ =	shalt  }
0x42: {  	_ =	shalt  }
0x43: {  	_ =	shalt  }
0x44: {  	_ =	shalt  }
0x45: {  	_ =	shalt  }
0x46: {  	_ =	shalt  }
0x47: {  	_ =	shalt  }
0x48: {  	_ =	shalt  }
0x49: {  	_ =	shalt  }
0x4a: {  	_ =	shalt  }
0x4b: {  	_ =	shalt  }
0x4c: {  	_ =	shalt  }
0x4d: {  	_ =	shalt  }
0x4e: {  	_ =	shalt  }
0x4f: {  	_ =	shalt  }
0x50: {  	_ =	shalt  }
0x51: {  	_ =	shalt  }
0x52: {  	_ =	shalt  }
0x53: {  	_ =	shalt  }
0x54: {  	_ =	shalt  }
0x55: {  	_ =	shalt  }
0x56: {  	_ =	shalt  }
0x57: {  	_ =	shalt  }
0x58: {  	_ =	shalt  }
0x59: {  	_ =	shalt  }
0x5a: {  	_ =	shalt  }
0x5b: {  	_ =	shalt  }
0x5c: {  	_ =	shalt  }
0x5d: {  	_ =	shalt  }
0x5e: {  	_ =	shalt  }
0x5f: {  	_ =	shalt  }
0x60: {  	_ =	shalt  }
0x61: {  	_ =	shalt  }
0x62: {  	_ =	shalt  }
0x63: {  	_ =	shalt  }
0x64: {  	_ =	shalt  }
0x65: {  	_ =	shalt  }
0x66: {  	_ =	shalt  }
0x67: {  	_ =	shalt  }
0x68: {  	_ =	shalt  }
0x69: {  	_ =	shalt  }
0x6a: {  	_ =	shalt  }
0x6b: {  	_ =	shalt  }
0x6c: {  	_ =	shalt  }
0x6d: {  	_ =	shalt  }
0x6e: {  	_ =	shalt  }
0x6f: {  	_ =	shalt  }
0x70: {  	_ =	shalt  }
0x71: {  	_ =	shalt  }
0x72: {  	_ =	shalt  }
0x73: {  	_ =	shalt  }
0x74: {  	_ =	shalt  }
0x75: {  	_ =	shalt  }
0x76: {  	_ =	shalt  }
0x77: {  	_ =	shalt  }
0x78: {  	_ =	shalt  }
0x79: {  	_ =	shalt  }
0x7a: {  	_ =	shalt  }
0x7b: {  	_ =	shalt  }
0x7c: {  	_ =	shalt  }
0x7d: {  	_ =	shalt  }
0x7e: {  	_ =	shalt  }
0x7f: {  	_ =	shalt  }
0x80: {  	_ =	shalt  }
0x81: {  	_ =	shalt  }
0x82: {  	_ =	shalt  }
0x83: {  	_ =	shalt  }
0x84: {  	_ =	shalt  }
0x85: {  	_ =	shalt  }
0x86: {  	_ =	shalt  }
0x87: {  	_ =	shalt  }
.Lfunc_end0:
.L_simem_size_0:
called_computation_lowered:
.L_overlay_start_0:
0x88: {  	s2 =	sld [smem:$0x3FD9]  }
0x89: {  	s3 =	sld [smem:$0x3FFE];
	_ =	sdelay $0x1  }
0x8a: {  	s1 =	srdreg.scid  }
0x8b: {  	s0 =	sand.u32 $0x1, s1  }
0x8c: {  	s16 =	sshll.u32 s0, $0xA;
	s2 =	sadd.s32 s3, s2  }
0x8d: {  	s2 =	sadd.s32 s2, s16  }
0x8e: {  	[smem:$0x3FC2] =	sst s2  }
0x8f: {  	_ = 	snop  }
0x90: {  	(tm) =	ssettm $0x1  }
0x91: {  	s17 =	sld [smem:$0x3FFB];
	_ =	sdelay $0x3  }
0x92: {  	_ =	strace s17  }
0x93: {  	s2 =	sld [smem:$0x3FFC];
	_ =	sdelay $0x3  }
0x94: {  	_ =	strace s2  }
0x95: {  	s2 =	sld [smem:$0x3FFD];
	_ =	sdelay $0x3  }
0x96: {  	_ =	strace s2  }
0x97: {  	_ =	strace $0x8FFFFFFF  }
0x98: {  	s18 =	sld [smem:$0x3FDB];
	_ =	sdelay $0x1  }
0x99: {  	s19 =	simm.s32 $_scs_section_size  }
0x9a: {  	s4 =	simm.s32 $_size__tile_overlayer_lowered;
	s5 =	simm.s32 $_tile_overlayer_lowered  }
0x9b: {  	s22 =	simm.s32 $0x1BFF;
	s21 =	sshll.u32 s5, $0x1;
	s2 =	sadd.s32 s19, s18  }
0x9c: {  	s6 =	simm.s32 $0x0;
	s20 =	sshll.u32 s4, $0x1;
	s4 =	sadd.s32 s21, s2  }
0x9d: {  	[timem:s6], [sflag:s22] =	dma.local [hbm:s4], s20  }
0x9e: {  	_ =	swait.ge [sflag:s22], s20  }
0x9f: {  	s3 =	ssub.s32 $0x0, s20;
	[sflag:s22] =	ssyncset.done $0x0  }
0xa0: {  	[sflag:s22] =	ssyncadd.s32 s3;
	_ =	sdelay $0x1  }
0xa1: {  	s23 =	simm.s32 $0x1B8B  }
0xa2: {  	_ =	swait.ge [sflag:s23], $0x1  }
0xa3: {  	[sflag:s23] =	ssyncset.done $0x0  }
0xa4: {  	s25 =	simm.s32 $0x1B8E;
	s24 =	sld [smem:$0x3FFE];
	[sflag:s23] =	ssyncadd.s32 $0xFFFFFFFF  }
0xa5: {  	s26 =	simm.s32 $execute0_lowered;
	[smem:$0x3FD2] =	sst s25  }
0xa6: {  	s4 =	sshll.u32 s26, $0x1;
	_ =	strace $0x80000046;
	[dreg:$0x1] =	wrdreg $0xFFFFFFFF  }
0xa7: {  	s28 =	simm.s32 $_size_execute0_lowered;
	s2 =	sadd.s32 s2, s4;
	[dreg:$0x0] =	wrdreg $0x0  }
0xa8: {  	s4 =	sshll.u32 s28, $0x1;
	[dreg:$0x2] =	wrdreg s2  }
0xa9: {  	[dreg:$0x3] =	wrdreg s4  }
0xaa: {  	[dreg:$0x4] =	wrdreg $0xC0  }
0xab: {  	_ =	task [dreg:s6], $0x5FFFF  }
0xac: {  	[dreg:$0x1] =	wrdreg $0xFFFFFFFF  }
0xad: {  	[dreg:$0x0] =	wrdreg $0x60  }
0xae: {  	[dreg:$0x2] =	wrdreg s24  }
0xaf: {  	[dreg:$0x3] =	wrdreg $0x68000  }
0xb0: {  	[dreg:$0x4] =	wrdreg $0x9  }
0xb1: {  	_ =	task.clear_ibuf [dreg:s6], $0x5FFFF;
	_ =	strace $0x90000046  }
0xb2: {  	s29 =	simm.s32 $0x9;
	_ =	strace $0x80000048  }
0xb3: {  	_ =	swait.ge [sflag:s29], $0x1  }
0xb4: {  	[sflag:s29] =	ssyncadd.s32 $0xFFFFFFFF  }
0xb5: {  	_ =	strace $0x90000048  }
0xb6: {  	_ =	sfence  }
0xb7: {  	s30 =	sld [smem:$0x0];
	_ =	sdelay $0x2  }
0xb8: {  	s31 =	sshll.u32 s1, $0xD;
	s1 =	sshrl.u32 s1, $0x2  }
0xb9: {  	s3 =	sand.u32 $0x4000, s31;
	s1 =	sadd.s32 s1, s30  }
0xba: {  	s0 =	sor.u32 s3, s0;
	s1 =	sshll.u32 s1, $0x11  }
0xbb: {  	s0 =	sor.u32 s1, s0  }
0xbc: {  	s0 =	sadd.s32 $0x8F2B, s0  }
0xbd: {  	[sflag:s0] =	ssyncadd.remote.s32 $0x1  }
0xbe: {  	_ =	sfence.sel $0xFFFF  }
0xbf: {  	[dreg:$0x0] =	wrdreg $0xFFFFFFFF;
	(pc) =	sbr.abs _section_cstart, $3  }
0xc0: {  	[dreg:$0x1] =	wrdreg $0xFFFFFFFF  }
0xc1: {  	_ =	task.clear_ibuf [dreg:s6], $0x2FFFF;
	_ =	strace $0x9FFFFFFF  }
0xc2: {  	(tm) =	ssettm $0x7FFFFFFF  }
0xc3: {  	_ =	shalt  }
tec
execute0_lowered:
.L_overlay_start_1:
0x0: {  	(tag) =	ssettag $0x1  }
0x1: {  	s0 =	srdreg.scid;
	s7 =	rddreg [dreg:$0x0]  }
0x2: {  	s2 =	rddreg [dreg:$0x1];
	s3 =	simm.s32 $0x0;
	s18 =	simm.s32 $0x1  }
0x3: {  	s19 =	simm.s32 $0x2800;
	s6 =	sand.u32 $0x1, s0;
	s0 =	stileid.u32  }
0x4: {  	s20 =	simm.s32 $0x80;
	s21 =	simm.s32 $0x0;
	s8 =	smul.u32 $0x280, s0  }
0x5: {  	[smem:$0x7FF] =	sst s3;
	s5 =	sadd.s32 $0xD200, s7;
	s9 =	smul.u32 $0x2800, s6  }
0x6: {  	s1 =	sshll.u32 s6, $0x4;
	s11 =	smul.u32 $0x50000, s0;
	s6 =	ssub.s32 $0x2, s6  }
0x7: {  	s4 =	sor.u32 s0, s1;
	s1 =	rddreg [dreg:$0x2];
	_ =	strace $0x80000047  }
0x8: {  	s31 =	sshrl.u32 s6, $0x1;
	s4 =	smul.u32 $0x500, s4;
	s8 =	sadd.s32 s8, s9  }
0x9: {  	s11 =	sshrl.u32 s11, $0x2;
	s17 =	ssub.s32 s6, s31;
	s8 =	sshll.u32 s8, $0x4  }
0xa: {  	s6 =	sadd.s32 s11, s2;
	s17 =	smax.u32 s17, $0x1;
	s10 =	sadd.s32 s4, s7  }
0xb: {  	s4 =	sadd.s32 $0xDA00, s7;
	s16 =	sadd.s32 s8, s7;
	s8 =	sadd.s32 $0x4000, s6  }
0xc: {  	s9 =	sadd.s32 $0x8000, s6;
	s11 =	sadd.s32 $0x10000, s6;
	s7 =	sadd.s32 $0x3200, s10  }
0xd: {  	s10 =	sadd.s32 $0xC000, s6;
	s12 =	sadd.s32 $0xE200, s16;
	s13 =	sadd.s32 $0xEA00, s16  }
0xe: {  	s14 =	sadd.s32 $0xF200, s16;
	s15 =	sadd.s32 $0xFA00, s16;
	s16 =	sadd.s32 $0x10200, s16  }
.LBB2_1:
0xf: {  	[tilespmem:s3], [sflag:$0x1] =	stream.linear.gather [hbm4b:s7+s3], $0x2800, $0x38;
	[tilespmem:$0x1A800] =	vst v63  }
0x10: {  	_ =	swait.ge [sflag:s18], $0x2800  }
0x11: {  	[sflag:s18] =	ssyncset.done $0x0  }
0x12: {  	[sflag:s18] =	ssyncadd.s32 $0xFFFFD800  }
0x13: {  	[tilespmem:s19], [sflag:$0x1] =	stream.linear.gather [hbm4b:s5+s3], $0x4000, $0x38;
	[tilespmem:$0x1A800] =	vst v63  }
0x14: {  	_ =	swait.ge [sflag:s18], $0x4000  }
0x15: {  	[sflag:s18] =	ssyncset.done $0x0  }
0x16: {  	[sflag:s18] =	ssyncadd.s32 $0xFFFFC000  }
0x17: {  	[spmem:s6] =	stream.linear.scatter [tilespmem:s19], [sflag:$0x1], $0x4000, $0x38;
	[tilespmem:$0x1A800] =	vst v63  }
0x18: {  	_ =	swait.ge [sflag:s18], $0x4000  }
0x19: {  	[sflag:s18] =	ssyncset.done $0x0  }
0x1a: {  	[sflag:s18] =	ssyncadd.s32 $0xFFFFC000  }
0x1b: {  	[spmem:s8] =	stream.linear.scatter [tilespmem:s19], [sflag:$0x1], $0x4000, $0x38;
	[tilespmem:$0x1A800] =	vst v63  }
0x1c: {  	_ =	swait.ge [sflag:s18], $0x4000  }
0x1d: {  	[sflag:s18] =	ssyncset.done $0x0  }
0x1e: {  	[sflag:s18] =	ssyncadd.s32 $0xFFFFC000  }
0x1f: {  	[spmem:s9] =	stream.linear.scatter [tilespmem:s19], [sflag:$0x1], $0x4000, $0x38;
	[tilespmem:$0x1A800] =	vst v63  }
0x20: {  	_ =	swait.ge [sflag:s18], $0x4000  }
0x21: {  	[sflag:s18] =	ssyncset.done $0x0  }
0x22: {  	[sflag:s18] =	ssyncadd.s32 $0xFFFFC000  }
0x23: {  	[spmem:s10] =	stream.linear.scatter [tilespmem:s19], [sflag:$0x1], $0x4000, $0x38;
	[tilespmem:$0x1A800] =	vst v63  }
0x24: {  	_ =	swait.ge [sflag:s18], $0x4000  }
0x25: {  	[sflag:s18] =	ssyncset.done $0x0  }
0x26: {  	[sflag:s18] =	ssyncadd.s32 $0xFFFFC000  }
0x27: {  	[spmem:s11] =	stream.linear.scatter [tilespmem:s19], [sflag:$0x1], $0x4000, $0x38;
	[tilespmem:$0x1A800] =	vst v63  }
0x28: {  	_ =	swait.ge [sflag:s18], $0x4000  }
0x29: {  	[sflag:s18] =	ssyncset.done $0x0  }
0x2a: {  	[sflag:s18] =	ssyncadd.s32 $0xFFFFC000  }
0x2b: {  	[bflag:$0x0] =	sbarrier.arrive $0xFFFF  }
0x2c: {  	[tilespmem:s19], [sflag:$0x1] =	stream.linear.gather [hbm4b:s4+s3], $0x4000, $0x38;
	[tilespmem:$0x1A800] =	vst v63  }
0x2d: {  	_ =	swait.ge [sflag:s18], $0x4000  }
0x2e: {  	[sflag:s18] =	ssyncset.done $0x0  }
0x2f: {  	s22 =	simm.s32 $0x0;
	[sflag:s18] =	ssyncadd.s32 $0xFFFFC000  }
0x30: {  	[spmem:s2] =	stream.indirect.scatter.add.f32 [tilespmem:s19], [sflag:$0x1], $0x80, s22, s20, $0xb8;
	[tilespmem:$0x1A800] =	vst v63  }
0x31: {  	_ =	swait.ge [sflag:s18], $0x4000  }
0x32: {  	s22 =	simm.s32 $0x200;
	[sflag:s18] =	ssyncset.done $0x0  }
.LBB2_2:
0x33: {  	s23 =	sshra.s32 s22, $0x2;
	[sflag:s18] =	ssyncadd.s32 $0xFFFFC000;
	p0 =	sne.s32 s22, $0x9E00  }
0x34: {  	[spmem:s2] =	stream.indirect.scatter.add.f32 [tilespmem:s19], [sflag:$0x1], $0x80, s23, s20, $0xb8;
	[tilespmem:$0x1A800] =	vst v63  }
.Ltmp0:
0x35: {  	_ = 	snop;
	(pc) =	sbr.rel @p0 .LBB2_2-.Ltmp0, $4  }
0x36: {  	_ = 	snop  }
0x37: {  	s22 =	sadd.s32 $0x200, s22  }
0x38: {  	_ =	swait.ge [sflag:s18], $0x4000  }
0x39: {  	[sflag:s18] =	ssyncset.done $0x0  }
0x3a: {  	[sflag:s18] =	ssyncadd.s32 $0xFFFFC000  }
0x3b: {  	[bflag:$0x0] =	sbarrier.arrive $0xFFFF  }
0x3c: {  	[tilespmem:s19], [sflag:$0x1] =	stream.linear.gather [spmem:s6], $0x4000, $0x38;
	[tilespmem:$0x1A800] =	vst v63  }
0x3d: {  	_ =	swait.ge [sflag:s18], $0x4000  }
0x3e: {  	[sflag:s18] =	ssyncset.done $0x0  }
0x3f: {  	[sflag:s18] =	ssyncadd.s32 $0xFFFFC000  }
0x40: {  	[hbm4b:s12+s3] =	stream.linear.scatter [tilespmem:s19], [sflag:$0x1], $0x4000, $0x38;
	[tilespmem:$0x1A800] =	vst v63  }
0x41: {  	_ =	swait.ge [sflag:s18], $0x4000  }
0x42: {  	[sflag:s18] =	ssyncset.done $0x0  }
0x43: {  	[sflag:s18] =	ssyncadd.s32 $0xFFFFC000  }
0x44: {  	[tilespmem:s19], [sflag:$0x1] =	stream.linear.gather [spmem:s8], $0x4000, $0x38;
	[tilespmem:$0x1A800] =	vst v63  }
0x45: {  	_ =	swait.ge [sflag:s18], $0x4000  }
0x46: {  	[sflag:s18] =	ssyncset.done $0x0  }
0x47: {  	[sflag:s18] =	ssyncadd.s32 $0xFFFFC000  }
0x48: {  	[hbm4b:s13+s3] =	stream.linear.scatter [tilespmem:s19], [sflag:$0x1], $0x4000, $0x38;
	[tilespmem:$0x1A800] =	vst v63  }
0x49: {  	_ =	swait.ge [sflag:s18], $0x4000  }
0x4a: {  	[sflag:s18] =	ssyncset.done $0x0  }
0x4b: {  	[sflag:s18] =	ssyncadd.s32 $0xFFFFC000  }
0x4c: {  	[tilespmem:s19], [sflag:$0x1] =	stream.linear.gather [spmem:s9], $0x4000, $0x38;
	[tilespmem:$0x1A800] =	vst v63  }
0x4d: {  	_ =	swait.ge [sflag:s18], $0x4000  }
0x4e: {  	[sflag:s18] =	ssyncset.done $0x0  }
0x4f: {  	[sflag:s18] =	ssyncadd.s32 $0xFFFFC000  }
0x50: {  	[hbm4b:s14+s3] =	stream.linear.scatter [tilespmem:s19], [sflag:$0x1], $0x4000, $0x38;
	[tilespmem:$0x1A800] =	vst v63  }
0x51: {  	_ =	swait.ge [sflag:s18], $0x4000  }
0x52: {  	[sflag:s18] =	ssyncset.done $0x0  }
0x53: {  	[sflag:s18] =	ssyncadd.s32 $0xFFFFC000  }
0x54: {  	[tilespmem:s19], [sflag:$0x1] =	stream.linear.gather [spmem:s10], $0x4000, $0x38;
	[tilespmem:$0x1A800] =	vst v63  }
0x55: {  	_ =	swait.ge [sflag:s18], $0x4000  }
0x56: {  	[sflag:s18] =	ssyncset.done $0x0  }
0x57: {  	[sflag:s18] =	ssyncadd.s32 $0xFFFFC000  }
0x58: {  	[hbm4b:s15+s3] =	stream.linear.scatter [tilespmem:s19], [sflag:$0x1], $0x4000, $0x38;
	[tilespmem:$0x1A800] =	vst v63  }
0x59: {  	_ =	swait.ge [sflag:s18], $0x4000  }
0x5a: {  	[sflag:s18] =	ssyncset.done $0x0  }
0x5b: {  	[sflag:s18] =	ssyncadd.s32 $0xFFFFC000  }
0x5c: {  	[tilespmem:s19], [sflag:$0x1] =	stream.linear.gather [spmem:s11], $0x4000, $0x38;
	[tilespmem:$0x1A800] =	vst v63  }
0x5d: {  	s21 =	sadd.s32 $0x1, s21;
	_ =	swait.ge [sflag:s18], $0x4000  }
0x5e: {  	p0 =	sne.s32 s21, s17;
	[sflag:s18] =	ssyncset.done $0x0  }
.Ltmp1:
0x5f: {  	[sflag:s18] =	ssyncadd.s32 $0xFFFFC000;
	(pc) =	sbr.rel @p0 .LBB2_1-.Ltmp1, $4  }
0x60: {  	[hbm4b:s16+s3] =	stream.linear.scatter [tilespmem:s19], [sflag:$0x1], $0x4000, $0x38;
	[tilespmem:$0x1A800] =	vst v63  }
0x61: {  	_ =	swait.ge [sflag:s18], $0x4000  }
0x62: {  	[sflag:s18] =	ssyncset.done $0x0  }
0x63: {  	[sflag:s18] =	ssyncadd.s32 $0xFFFFC000  }
0x64: {  	_ =	sfence.sel $0x180000  }
0x65: {  	[bflag:$0x0] =	sbarrier.arrive $0xFFFF  }
0x66: {  	p0 =	sne.s32 s0, $0x0;
	_ =	strace $0x90000047  }
0x67: {  	s0 =	sadd.s32 @!p0 $0x100000, s1;
	[bflag:$0x2] =	sbarrier.arrive $0xFFFF  }
0x68: {  	[sflag:s0] =	ssyncadd.tile.s32 @!p0 $0x1;
	_ =	shalt  }
.Lfunc_end2:
_tile_overlayer_lowered:
.L_overlay_start_2:
0x69: {  	(tag) =	ssettag $0x2  }
0x6a: {  	s0 =	rddreg [dreg:$0x0];
	s2 =	stileid.u32  }
0x6b: {  	s1 =	rddreg [dreg:$0x1];
	p0 =	sne.s32 s2, $0x0  }
0x6c: {  	s3 =	rddreg [dreg:$0x2];
	[bflag:$0x3] =	sbarrier.arrive $0xFFFF;
	s2 =	simm.s32 @!p0 $0x1C01  }
0x6d: {  	[timem:s3], [sflag:s2] =	dma.local @!p0 [hbm:s0], s1  }
0x6e: {  	s0 =	simm.s32 @!p0 $0x1  }
0x6f: {  	_ =	swait.ge @!p0 [sflag:s0], s1  }
0x70: {  	s1 =	ssub.s32 @!p0 $0x0, s1;
	[sflag:s0] =	ssyncset.done @!p0 $0x0  }
0x71: {  	[sflag:s0] =	ssyncadd.s32 @!p0 s1  }
0x72: {  	[bflag:$0x3] =	sbarrier.arrive $0xFFFF  }
0x73: {  	_ =	shalt  }

</sc_bundles>
